<compile_context>
chip_gen: v7x
topology: tpu7x:2x2x1
jax: 0.10.2.dev20260603
libtpu: 0.0.44.dev20260713+nightly
codegen_flags: <defaults>
</compile_context>

<pallas_src>
import functools

import jax
import jax.numpy as jnp
from jax.experimental import pallas as pl

PRE_NMS_THRESH = 0.05
PRE_NMS_TOP_N = 1000
NMS_THRESH = 0.6
FPN_POST_NMS_TOP_N = 100

_PAD = 1024


def _permute_and_flatten(t, N, A, C, H, W):
    t = t.reshape(N, A, C, H, W)
    t = jnp.transpose(t, (0, 3, 4, 1, 2))
    return t.reshape(N, H * W * A, C)


def _nms_kernel(feats_ref, out_ref):
    x1 = feats_ref[0, 0]
    y1 = feats_ref[0, 1]
    x2 = feats_ref[0, 2]
    y2 = feats_ref[0, 3]
    score = feats_ref[0, 4]
    lab = feats_ref[0, 5]
    valid = feats_ref[0, 6]

    off = lab * 100000.0
    xo1 = x1 + off
    yo1 = y1 + off
    xo2 = x2 + off
    yo2 = y2 + off
    area = (xo2 - xo1) * (yo2 - yo1)
    s0 = jnp.where(valid > 0.0, score, -1.0)

    rowi = jax.lax.broadcasted_iota(jnp.int32, (8, 128), 0)
    lanei = jax.lax.broadcasted_iota(jnp.int32, (8, 128), 1)
    flat = rowi * 128 + lanei

    fiota = jax.lax.broadcasted_iota(jnp.int32, (1, 8), 1)

    def body(t, s):
        m = jnp.max(s)
        eq = s == m
        pos = jnp.min(jnp.where(eq, flat, 1 << 30))
        sel = flat == pos
        kf = jnp.where(m > 0.0, 1.0, 0.0)

        def ext(a):
            return jnp.sum(jnp.where(sel, a, 0.0))

        exo1 = ext(xo1)
        eyo1 = ext(yo1)
        exo2 = ext(xo2)
        eyo2 = ext(yo2)
        ear = ext(area)
        elab = ext(lab)
        esc = ext(score)
        ex1 = ext(x1)
        ey1 = ext(y1)
        ex2 = ext(x2)
        ey2 = ext(y2)

        ltx = jnp.maximum(xo1, exo1)
        lty = jnp.maximum(yo1, eyo1)
        rbx = jnp.minimum(xo2, exo2)
        rby = jnp.minimum(yo2, eyo2)
        w = jnp.clip(rbx - ltx, 0.0, None)
        h = jnp.clip(rby - lty, 0.0, None)
        inter = w * h
        iou = inter / (area + ear - inter + 1e-9)
        s_new = jnp.where((iou > NMS_THRESH) | sel, -1.0, s)

        row = (
            jnp.where(fiota == 0, ex1, 0.0)
            + jnp.where(fiota == 1, ey1, 0.0)
            + jnp.where(fiota == 2, ex2, 0.0)
            + jnp.where(fiota == 3, ey2, 0.0)
            + jnp.where(fiota == 4, esc, 0.0)
            + jnp.where(fiota == 5, elab, 0.0)
        )
        out_ref[0, pl.ds(t, 1), :] = row * kf
        return s_new

    jax.lax.fori_loop(0, FPN_POST_NMS_TOP_N, body, s0)


@functools.partial(jax.jit, static_argnames=())
def kernel(box_cls, box_regression, centerness, level_points, img_sizes):
    N, AC, H, W = box_cls.shape
    A = box_regression.shape[1] // 4
    C = AC // A
    cls = jax.nn.sigmoid(_permute_and_flatten(box_cls, N, A, C, H, W))
    reg = _permute_and_flatten(box_regression, N, A, 4, H, W).reshape(N, -1, 4)
    ctr = jax.nn.sigmoid(
        _permute_and_flatten(centerness, N, A, 1, H, W).reshape(N, -1))
    cand = cls > PRE_NMS_THRESH
    combined = cls * ctr[:, :, None]
    flat = (combined * cand).reshape(N, -1)
    vals, idx = jax.lax.top_k(flat, PRE_NMS_TOP_N)
    loc = idx // C
    labels = idx % C + 1
    valid = jnp.take_along_axis(cand.reshape(N, -1), idx, axis=1)
    pts = level_points[loc]
    dist = jnp.take_along_axis(reg, loc[:, :, None], axis=1)
    x1 = pts[..., 0] - dist[..., 0]
    y1 = pts[..., 1] - dist[..., 1]
    x2 = pts[..., 0] + dist[..., 2]
    y2 = pts[..., 1] + dist[..., 3]
    wmax = (img_sizes[:, 0].astype(jnp.float32) - 1.0)[:, None]
    hmax = (img_sizes[:, 1].astype(jnp.float32) - 1.0)[:, None]
    x1 = jnp.clip(x1, 0.0, wmax)
    y1 = jnp.clip(y1, 0.0, hmax)
    x2 = jnp.clip(x2, 0.0, wmax)
    y2 = jnp.clip(y2, 0.0, hmax)
    valid = valid & (x2 - x1 >= 0) & (y2 - y1 >= 0)
    scores = jnp.sqrt(jnp.clip(vals, 1e-12, None))

    feats = jnp.stack(
        [x1, y1, x2, y2, scores, labels.astype(jnp.float32),
         valid.astype(jnp.float32)], axis=1)
    feats = jnp.pad(feats, ((0, 0), (0, 0), (0, _PAD - PRE_NMS_TOP_N)))
    feats = feats.reshape(N, 7, 8, 128)

    out = pl.pallas_call(
        _nms_kernel,
        grid=(N,),
        in_specs=[pl.BlockSpec((1, 7, 8, 128), lambda n: (n, 0, 0, 0))],
        out_specs=pl.BlockSpec((1, 104, 8), lambda n: (n, 0, 0)),
        out_shape=jax.ShapeDtypeStruct((N, 104, 8), jnp.float32),
    )(feats)
    return out[:, :FPN_POST_NMS_TOP_N, :6]

# --- scband reference (transcript-rebuilt; emitter-appended) ---
"""Pipeline reference for scband-dslpost-processor-54906861912218 (READ-ONLY COPY).

The authoritative reference and input builder live on the scoring server;
editing this copy changes nothing except your own understanding.
"""

import jax, jax.numpy as jnp
import numpy as np

PRE_NMS_THRESH = 0.05
PRE_NMS_TOP_N = 1000
NMS_THRESH = 0.6
FPN_POST_NMS_TOP_N = 100
MIN_SIZE = 0


def setup_inputs(seed: int = 0):
    key = jax.random.key(seed)
    k1, k2, k3 = jax.random.split(key, 3)
    N, C, H, W = 4, 80, 100, 152
    box_cls = jax.random.normal(k1, (N, C, H, W), jnp.float32)
    box_regression = jax.random.uniform(k2, (N, 4, H, W), jnp.float32) * 64.0
    centerness = jax.random.normal(k3, (N, 1, H, W), jnp.float32)
    ys, xs = jnp.meshgrid(jnp.arange(H), jnp.arange(W), indexing='ij')
    level_points = jnp.stack([xs.reshape(-1) * 8 + 4, ys.reshape(-1) * 8 + 4], axis=-1).astype(jnp.float32)
    img_sizes = jnp.tile(jnp.array([[1216, 800]], dtype=jnp.int32), (N, 1))
    return {"box_cls": box_cls, "box_regression": box_regression, "centerness": centerness, "level_points": level_points, "img_sizes": img_sizes}


def _permute_and_flatten(t, N, A, C, H, W):
    t = t.reshape(N, A, C, H, W)
    t = jnp.transpose(t, (0, 3, 4, 1, 2))
    return t.reshape(N, H * W * A, C)


def _distance2bbox(points, distance):
    x1 = points[..., 0] - distance[..., 0]
    y1 = points[..., 1] - distance[..., 1]
    x2 = points[..., 0] + distance[..., 2]
    y2 = points[..., 1] + distance[..., 3]
    return jnp.stack([x1, y1, x2, y2], axis=-1)


def _nms_single(boxes, scores, labels, valid):
    # class-aware NMS via per-class coordinate offsets (boxlist_ml_nms)
    off = labels.astype(jnp.float32) * 100000.0
    b = boxes + off[:, None]
    areas = (b[:, 2] - b[:, 0]) * (b[:, 3] - b[:, 1])
    lt = jnp.maximum(b[:, None, :2], b[None, :, :2])
    rb = jnp.minimum(b[:, None, 2:], b[None, :, 2:])
    wh = jnp.clip(rb - lt, 0.0, None)
    inter = wh[..., 0] * wh[..., 1]
    iou = inter / (areas[:, None] + areas[None, :] - inter + 1e-9)
    iou = jax.lax.stop_gradient(iou)
    s0 = jnp.where(valid, jax.lax.stop_gradient(scores), -1.0)

    def step(s_cur, _):
        i = jnp.argmax(s_cur)
        kept = s_cur[i] > 0.0
        sup = iou[i] > NMS_THRESH
        s_new = jnp.where(sup, -1.0, s_cur).at[i].set(-1.0)
        return s_new, (i, kept)

    _, (kept_idx, kept_mask) = jax.lax.scan(step, s0, None, length=FPN_POST_NMS_TOP_N)
    return kept_idx, kept_mask


def reference(box_cls, box_regression, centerness, level_points, img_sizes):
    N, AC, H, W = box_cls.shape
    A = box_regression.shape[1] // 4
    C = AC // A
    cls = jax.nn.sigmoid(_permute_and_flatten(box_cls, N, A, C, H, W))
    reg = _permute_and_flatten(box_regression, N, A, 4, H, W).reshape(N, -1, 4)
    ctr = jax.nn.sigmoid(_permute_and_flatten(centerness, N, A, 1, H, W).reshape(N, -1))
    cand = cls > PRE_NMS_THRESH
    combined = cls * ctr[:, :, None]
    flat = (combined * cand).reshape(N, -1)
    vals, idx = jax.lax.top_k(flat, PRE_NMS_TOP_N)
    loc = idx // C
    labels = idx % C + 1
    valid = jnp.take_along_axis(cand.reshape(N, -1), idx, axis=1)
    pts = level_points[loc]
    dist = jnp.take_along_axis(reg, loc[:, :, None], axis=1)
    boxes = _distance2bbox(pts, dist)
    wmax = (img_sizes[:, 0].astype(jnp.float32) - 1.0)[:, None]
    hmax = (img_sizes[:, 1].astype(jnp.float32) - 1.0)[:, None]
    x1 = jnp.clip(boxes[..., 0], 0.0, wmax)
    y1 = jnp.clip(boxes[..., 1], 0.0, hmax)
    x2 = jnp.clip(boxes[..., 2], 0.0, wmax)
    y2 = jnp.clip(boxes[..., 3], 0.0, hmax)
    boxes = jnp.stack([x1, y1, x2, y2], axis=-1)
    valid = valid & (x2 - x1 >= MIN_SIZE) & (y2 - y1 >= MIN_SIZE)
    scores = jnp.sqrt(jnp.clip(vals, 1e-12, None))
    kept_idx, kept_mask = jax.vmap(_nms_single)(boxes, scores, labels, valid)
    boxes_k = jnp.take_along_axis(boxes, kept_idx[:, :, None], axis=1)
    scores_k = jnp.take_along_axis(scores, kept_idx, axis=1)
    labels_k = jnp.take_along_axis(labels, kept_idx, axis=1)
    out = jnp.concatenate([boxes_k, scores_k[:, :, None], labels_k[:, :, None].astype(jnp.float32)], axis=-1)
    out = out * kept_mask[:, :, None].astype(jnp.float32)
    return out

if __name__ == "__main__":
    import jax
    _d = setup_inputs()
    print(jax.jit(kernel)(*tuple(_d.values())))

</pallas_src>

<mosaic_0001>
module attributes {stable_mosaic.version = 14 : i64} {
  func.func @_nms_kernel(%arg0: i32, %arg1: memref<1x7x8x128xf32, #tpu.memory_space<vmem>>, %arg2: memref<1x104x8xf32, #tpu.memory_space<vmem>>) attributes {dimension_semantics = [#tpu.dimension_semantics<arbitrary>], iteration_bounds = array<i64: 4>, scalar_prefetch = 0 : i64, scratch_operands = 0 : i64, tpu.core_type = #tpu.core_type<tc>, window_params = [{transform_indices = @transform_0, window_bounds = array<i64: 1, 7, 8, 128>}, {transform_indices = @transform_1, window_bounds = array<i64: 1, 104, 8>}]} {
    %get3A = arith.constant 0 : index
    %get3A_0 = arith.constant 0 : index
    %get3A_1 = arith.constant 0 : index
    %get3A_2 = arith.constant 0 : index
    %get3A_3 = vector.load %arg1[%get3A, %get3A_0, %get3A_1, %get3A_2] : memref<1x7x8x128xf32, #tpu.memory_space<vmem>>, vector<1x1x8x128xf32>
    %get3A_4 = vector.shape_cast %get3A_3 : vector<1x1x8x128xf32> to vector<8x128xf32>
    %get3A_5 = arith.constant 0 : index
    %get3A_6 = arith.constant 1 : index
    %get3A_7 = arith.constant 0 : index
    %get3A_8 = arith.constant 0 : index
    %get3A_9 = vector.load %arg1[%get3A_5, %get3A_6, %get3A_7, %get3A_8] : memref<1x7x8x128xf32, #tpu.memory_space<vmem>>, vector<1x1x8x128xf32>
    %get3A_10 = vector.shape_cast %get3A_9 : vector<1x1x8x128xf32> to vector<8x128xf32>
    %get3A_11 = arith.constant 0 : index
    %get3A_12 = arith.constant 2 : index
    %get3A_13 = arith.constant 0 : index
    %get3A_14 = arith.constant 0 : index
    %get3A_15 = vector.load %arg1[%get3A_11, %get3A_12, %get3A_13, %get3A_14] : memref<1x7x8x128xf32, #tpu.memory_space<vmem>>, vector<1x1x8x128xf32>
    %get3A_16 = vector.shape_cast %get3A_15 : vector<1x1x8x128xf32> to vector<8x128xf32>
    %get3A_17 = arith.constant 0 : index
    %get3A_18 = arith.constant 3 : index
    %get3A_19 = arith.constant 0 : index
    %get3A_20 = arith.constant 0 : index
    %get3A_21 = vector.load %arg1[%get3A_17, %get3A_18, %get3A_19, %get3A_20] : memref<1x7x8x128xf32, #tpu.memory_space<vmem>>, vector<1x1x8x128xf32>
    %get3A_22 = vector.shape_cast %get3A_21 : vector<1x1x8x128xf32> to vector<8x128xf32>
    %get3A_23 = arith.constant 0 : index
    %get3A_24 = arith.constant 4 : index
    %get3A_25 = arith.constant 0 : index
    %get3A_26 = arith.constant 0 : index
    %get3A_27 = vector.load %arg1[%get3A_23, %get3A_24, %get3A_25, %get3A_26] : memref<1x7x8x128xf32, #tpu.memory_space<vmem>>, vector<1x1x8x128xf32>
    %get3A_28 = vector.shape_cast %get3A_27 : vector<1x1x8x128xf32> to vector<8x128xf32>
    %get3A_29 = arith.constant 0 : index
    %get3A_30 = arith.constant 5 : index
    %get3A_31 = arith.constant 0 : index
    %get3A_32 = arith.constant 0 : index
    %get3A_33 = vector.load %arg1[%get3A_29, %get3A_30, %get3A_31, %get3A_32] : memref<1x7x8x128xf32, #tpu.memory_space<vmem>>, vector<1x1x8x128xf32>
    %get3A_34 = vector.shape_cast %get3A_33 : vector<1x1x8x128xf32> to vector<8x128xf32>
    %get3A_35 = arith.constant 0 : index
    %get3A_36 = arith.constant 6 : index
    %get3A_37 = arith.constant 0 : index
    %get3A_38 = arith.constant 0 : index
    %get3A_39 = vector.load %arg1[%get3A_35, %get3A_36, %get3A_37, %get3A_38] : memref<1x7x8x128xf32, #tpu.memory_space<vmem>>, vector<1x1x8x128xf32>
    %get3A_40 = vector.shape_cast %get3A_39 : vector<1x1x8x128xf32> to vector<8x128xf32>
    %mul3A = arith.constant 1.000000e+05 : f32
    %mul3A_41 = vector.broadcast %mul3A : f32 to vector<8x128xf32>
    %mul3A_42 = arith.mulf %get3A_34, %mul3A_41 : vector<8x128xf32>
    %add3A = arith.addf %get3A_4, %mul3A_42 : vector<8x128xf32>
    %add3A_43 = arith.addf %get3A_10, %mul3A_42 : vector<8x128xf32>
    %add3A_44 = arith.addf %get3A_16, %mul3A_42 : vector<8x128xf32>
    %add3A_45 = arith.addf %get3A_22, %mul3A_42 : vector<8x128xf32>
    %sub3A = arith.subf %add3A_44, %add3A : vector<8x128xf32>
    %sub3A_46 = arith.subf %add3A_45, %add3A_43 : vector<8x128xf32>
    %mul3A_47 = arith.mulf %sub3A, %sub3A_46 : vector<8x128xf32>
    %gt3A = arith.constant 0.000000e+00 : f32
    %gt3A_48 = vector.broadcast %gt3A : f32 to vector<8x128xf32>
    %gt3A_49 = arith.cmpf ogt, %get3A_40, %gt3A_48 : vector<8x128xf32>
    %jit3A = arith.constant -1.000000e+00 : f32
    %broadcast_in_dim3A = vector.broadcast %jit3A : f32 to vector<8x128xf32>
    %select_n3A = arith.select %gt3A_49, %get3A_28, %broadcast_in_dim3A : vector<8x128xi1>, vector<8x128xf32>
    %iota3A = tpu.iota {dimensions = array<i32: 0>} : vector<8x128xi32>
    %iota3A_50 = tpu.iota {dimensions = array<i32: 1>} : vector<8x128xi32>
    %mul3A_51 = arith.constant 128 : i32
    %mul3A_52 = vector.broadcast %mul3A_51 : i32 to vector<8x128xi32>
    %mul3A_53 = arith.muli %iota3A, %mul3A_52 : vector<8x128xi32>
    %add3A_54 = arith.addi %mul3A_53, %iota3A_50 : vector<8x128xi32>
    %iota3A_55 = tpu.iota {dimensions = array<i32: 1>} : vector<1x8xi32>
    %scan3A = arith.constant 0 : i32
    %scan3A_56 = arith.constant 100 : i32
    %scan3A_57 = arith.addi %scan3A, %scan3A_56 : i32
    %scan3A_58 = arith.constant 1 : i32
    %scan3A_59 = scf.for %scan3A_61 = %scan3A to %scan3A_57 step %scan3A_58 iter_args(%scan3A_62 = %select_n3A) -> (vector<8x128xf32>)  : i32 {
      %reduce_max3A = vector.shape_cast %scan3A_62 : vector<8x128xf32> to vector<1x8x128xf32>
      %reduce_max3A_63 = arith.constant dense<0xFF800000> : vector<1xf32>
      %reduce_max3A_64 = vector.multi_reduction <maximumf>, %reduce_max3A, %reduce_max3A_63 [1, 2] : vector<1x8x128xf32> to vector<1xf32>
      %reduce_max3A_65 = vector.shape_cast %reduce_max3A_64 : vector<1xf32> to vector<1x1x1xf32>
      %reduce_max3A_66 = vector.extract %reduce_max3A_65[0, 0, 0] : f32 from vector<1x1x1xf32>
      %eq3A = vector.broadcast %reduce_max3A_66 : f32 to vector<8x128xf32>
      %eq3A_67 = arith.cmpf oeq, %scan3A_62, %eq3A : vector<8x128xf32>
      %jit3A_68 = arith.constant 1073741824 : i32
      %broadcast_in_dim3A_69 = vector.broadcast %jit3A_68 : i32 to vector<8x128xi32>
      %select_n3A_70 = arith.select %eq3A_67, %add3A_54, %broadcast_in_dim3A_69 : vector<8x128xi1>, vector<8x128xi32>
      %reduce_min3A = vector.shape_cast %select_n3A_70 : vector<8x128xi32> to vector<1x8x128xi32>
      %reduce_min3A_71 = arith.constant dense<2147483647> : vector<1xi32>
      %reduce_min3A_72 = vector.multi_reduction <minsi>, %reduce_min3A, %reduce_min3A_71 [1, 2] : vector<1x8x128xi32> to vector<1xi32>
      %reduce_min3A_73 = vector.shape_cast %reduce_min3A_72 : vector<1xi32> to vector<1x1x1xi32>
      %reduce_min3A_74 = vector.extract %reduce_min3A_73[0, 0, 0] : i32 from vector<1x1x1xi32>
      %eq3A_75 = vector.broadcast %reduce_min3A_74 : i32 to vector<8x128xi32>
      %eq3A_76 = arith.cmpi eq, %add3A_54, %eq3A_75 : vector<8x128xi32>
      %gt3A_77 = arith.constant 0.000000e+00 : f32
      %gt3A_78 = arith.cmpf ogt, %reduce_max3A_66, %gt3A_77 : f32
      %jit3A_79 = arith.constant 1.000000e+00 : f32
      %jit3A_80 = arith.constant 0.000000e+00 : f32
      %select_n3A_81 = arith.select %gt3A_78, %jit3A_79, %jit3A_80 : f32
      %jit3A_82 = arith.constant 0.000000e+00 : f32
      %broadcast_in_dim3A_83 = vector.broadcast %jit3A_82 : f32 to vector<8x128xf32>
      %select_n3A_84 = arith.select %eq3A_76, %add3A, %broadcast_in_dim3A_83 : vector<8x128xi1>, vector<8x128xf32>
      %reduce_sum3A = vector.shape_cast %select_n3A_84 : vector<8x128xf32> to vector<1x8x128xf32>
      %reduce_sum3A_85 = arith.constant dense<0.000000e+00> : vector<1xf32>
      %reduce_sum3A_86 = vector.multi_reduction <add>, %reduce_sum3A, %reduce_sum3A_85 [1, 2] : vector<1x8x128xf32> to vector<1xf32>
      %reduce_sum3A_87 = vector.shape_cast %reduce_sum3A_86 : vector<1xf32> to vector<1x1x1xf32>
      %reduce_sum3A_88 = vector.extract %reduce_sum3A_87[0, 0, 0] : f32 from vector<1x1x1xf32>
      %jit3A_89 = arith.constant 0.000000e+00 : f32
      %broadcast_in_dim3A_90 = vector.broadcast %jit3A_89 : f32 to vector<8x128xf32>
      %select_n3A_91 = arith.select %eq3A_76, %add3A_43, %broadcast_in_dim3A_90 : vector<8x128xi1>, vector<8x128xf32>
      %reduce_sum3A_92 = vector.shape_cast %select_n3A_91 : vector<8x128xf32> to vector<1x8x128xf32>
      %reduce_sum3A_93 = arith.constant dense<0.000000e+00> : vector<1xf32>
      %reduce_sum3A_94 = vector.multi_reduction <add>, %reduce_sum3A_92, %reduce_sum3A_93 [1, 2] : vector<1x8x128xf32> to vector<1xf32>
      %reduce_sum3A_95 = vector.shape_cast %reduce_sum3A_94 : vector<1xf32> to vector<1x1x1xf32>
      %reduce_sum3A_96 = vector.extract %reduce_sum3A_95[0, 0, 0] : f32 from vector<1x1x1xf32>
      %jit3A_97 = arith.constant 0.000000e+00 : f32
      %broadcast_in_dim3A_98 = vector.broadcast %jit3A_97 : f32 to vector<8x128xf32>
      %select_n3A_99 = arith.select %eq3A_76, %add3A_44, %broadcast_in_dim3A_98 : vector<8x128xi1>, vector<8x128xf32>
      %reduce_sum3A_100 = vector.shape_cast %select_n3A_99 : vector<8x128xf32> to vector<1x8x128xf32>
      %reduce_sum3A_101 = arith.constant dense<0.000000e+00> : vector<1xf32>
      %reduce_sum3A_102 = vector.multi_reduction <add>, %reduce_sum3A_100, %reduce_sum3A_101 [1, 2] : vector<1x8x128xf32> to vector<1xf32>
      %reduce_sum3A_103 = vector.shape_cast %reduce_sum3A_102 : vector<1xf32> to vector<1x1x1xf32>
      %reduce_sum3A_104 = vector.extract %reduce_sum3A_103[0, 0, 0] : f32 from vector<1x1x1xf32>
      %jit3A_105 = arith.constant 0.000000e+00 : f32
      %broadcast_in_dim3A_106 = vector.broadcast %jit3A_105 : f32 to vector<8x128xf32>
      %select_n3A_107 = arith.select %eq3A_76, %add3A_45, %broadcast_in_dim3A_106 : vector<8x128xi1>, vector<8x128xf32>
      %reduce_sum3A_108 = vector.shape_cast %select_n3A_107 : vector<8x128xf32> to vector<1x8x128xf32>
      %reduce_sum3A_109 = arith.constant dense<0.000000e+00> : vector<1xf32>
      %reduce_sum3A_110 = vector.multi_reduction <add>, %reduce_sum3A_108, %reduce_sum3A_109 [1, 2] : vector<1x8x128xf32> to vector<1xf32>
      %reduce_sum3A_111 = vector.shape_cast %reduce_sum3A_110 : vector<1xf32> to vector<1x1x1xf32>
      %reduce_sum3A_112 = vector.extract %reduce_sum3A_111[0, 0, 0] : f32 from vector<1x1x1xf32>
      %jit3A_113 = arith.constant 0.000000e+00 : f32
      %broadcast_in_dim3A_114 = vector.broadcast %jit3A_113 : f32 to vector<8x128xf32>
      %select_n3A_115 = arith.select %eq3A_76, %mul3A_47, %broadcast_in_dim3A_114 : vector<8x128xi1>, vector<8x128xf32>
      %reduce_sum3A_116 = vector.shape_cast %select_n3A_115 : vector<8x128xf32> to vector<1x8x128xf32>
      %reduce_sum3A_117 = arith.constant dense<0.000000e+00> : vector<1xf32>
      %reduce_sum3A_118 = vector.multi_reduction <add>, %reduce_sum3A_116, %reduce_sum3A_117 [1, 2] : vector<1x8x128xf32> to vector<1xf32>
      %reduce_sum3A_119 = vector.shape_cast %reduce_sum3A_118 : vector<1xf32> to vector<1x1x1xf32>
      %reduce_sum3A_120 = vector.extract %reduce_sum3A_119[0, 0, 0] : f32 from vector<1x1x1xf32>
      %jit3A_121 = arith.constant 0.000000e+00 : f32
      %broadcast_in_dim3A_122 = vector.broadcast %jit3A_121 : f32 to vector<8x128xf32>
      %select_n3A_123 = arith.select %eq3A_76, %get3A_34, %broadcast_in_dim3A_122 : vector<8x128xi1>, vector<8x128xf32>
      %reduce_sum3A_124 = vector.shape_cast %select_n3A_123 : vector<8x128xf32> to vector<1x8x128xf32>
      %reduce_sum3A_125 = arith.constant dense<0.000000e+00> : vector<1xf32>
      %reduce_sum3A_126 = vector.multi_reduction <add>, %reduce_sum3A_124, %reduce_sum3A_125 [1, 2] : vector<1x8x128xf32> to vector<1xf32>
      %reduce_sum3A_127 = vector.shape_cast %reduce_sum3A_126 : vector<1xf32> to vector<1x1x1xf32>
      %reduce_sum3A_128 = vector.extract %reduce_sum3A_127[0, 0, 0] : f32 from vector<1x1x1xf32>
      %jit3A_129 = arith.constant 0.000000e+00 : f32
      %broadcast_in_dim3A_130 = vector.broadcast %jit3A_129 : f32 to vector<8x128xf32>
      %select_n3A_131 = arith.select %eq3A_76, %get3A_28, %broadcast_in_dim3A_130 : vector<8x128xi1>, vector<8x128xf32>
      %reduce_sum3A_132 = vector.shape_cast %select_n3A_131 : vector<8x128xf32> to vector<1x8x128xf32>
      %reduce_sum3A_133 = arith.constant dense<0.000000e+00> : vector<1xf32>
      %reduce_sum3A_134 = vector.multi_reduction <add>, %reduce_sum3A_132, %reduce_sum3A_133 [1, 2] : vector<1x8x128xf32> to vector<1xf32>
      %reduce_sum3A_135 = vector.shape_cast %reduce_sum3A_134 : vector<1xf32> to vector<1x1x1xf32>
      %reduce_sum3A_136 = vector.extract %reduce_sum3A_135[0, 0, 0] : f32 from vector<1x1x1xf32>
      %jit3A_137 = arith.constant 0.000000e+00 : f32
      %broadcast_in_dim3A_138 = vector.broadcast %jit3A_137 : f32 to vector<8x128xf32>
      %select_n3A_139 = arith.select %eq3A_76, %get3A_4, %broadcast_in_dim3A_138 : vector<8x128xi1>, vector<8x128xf32>
      %reduce_sum3A_140 = vector.shape_cast %select_n3A_139 : vector<8x128xf32> to vector<1x8x128xf32>
      %reduce_sum3A_141 = arith.constant dense<0.000000e+00> : vector<1xf32>
      %reduce_sum3A_142 = vector.multi_reduction <add>, %reduce_sum3A_140, %reduce_sum3A_141 [1, 2] : vector<1x8x128xf32> to vector<1xf32>
      %reduce_sum3A_143 = vector.shape_cast %reduce_sum3A_142 : vector<1xf32> to vector<1x1x1xf32>
      %reduce_sum3A_144 = vector.extract %reduce_sum3A_143[0, 0, 0] : f32 from vector<1x1x1xf32>
      %jit3A_145 = arith.constant 0.000000e+00 : f32
      %broadcast_in_dim3A_146 = vector.broadcast %jit3A_145 : f32 to vector<8x128xf32>
      %select_n3A_147 = arith.select %eq3A_76, %get3A_10, %broadcast_in_dim3A_146 : vector<8x128xi1>, vector<8x128xf32>
      %reduce_sum3A_148 = vector.shape_cast %select_n3A_147 : vector<8x128xf32> to vector<1x8x128xf32>
      %reduce_sum3A_149 = arith.constant dense<0.000000e+00> : vector<1xf32>
      %reduce_sum3A_150 = vector.multi_reduction <add>, %reduce_sum3A_148, %reduce_sum3A_149 [1, 2] : vector<1x8x128xf32> to vector<1xf32>
      %reduce_sum3A_151 = vector.shape_cast %reduce_sum3A_150 : vector<1xf32> to vector<1x1x1xf32>
      %reduce_sum3A_152 = vector.extract %reduce_sum3A_151[0, 0, 0] : f32 from vector<1x1x1xf32>
      %jit3A_153 = arith.constant 0.000000e+00 : f32
      %broadcast_in_dim3A_154 = vector.broadcast %jit3A_153 : f32 to vector<8x128xf32>
      %select_n3A_155 = arith.select %eq3A_76, %get3A_16, %broadcast_in_dim3A_154 : vector<8x128xi1>, vector<8x128xf32>
      %reduce_sum3A_156 = vector.shape_cast %select_n3A_155 : vector<8x128xf32> to vector<1x8x128xf32>
      %reduce_sum3A_157 = arith.constant dense<0.000000e+00> : vector<1xf32>
      %reduce_sum3A_158 = vector.multi_reduction <add>, %reduce_sum3A_156, %reduce_sum3A_157 [1, 2] : vector<1x8x128xf32> to vector<1xf32>
      %reduce_sum3A_159 = vector.shape_cast %reduce_sum3A_158 : vector<1xf32> to vector<1x1x1xf32>
      %reduce_sum3A_160 = vector.extract %reduce_sum3A_159[0, 0, 0] : f32 from vector<1x1x1xf32>
      %jit3A_161 = arith.constant 0.000000e+00 : f32
      %broadcast_in_dim3A_162 = vector.broadcast %jit3A_161 : f32 to vector<8x128xf32>
      %select_n3A_163 = arith.select %eq3A_76, %get3A_22, %broadcast_in_dim3A_162 : vector<8x128xi1>, vector<8x128xf32>
      %reduce_sum3A_164 = vector.shape_cast %select_n3A_163 : vector<8x128xf32> to vector<1x8x128xf32>
      %reduce_sum3A_165 = arith.constant dense<0.000000e+00> : vector<1xf32>
      %reduce_sum3A_166 = vector.multi_reduction <add>, %reduce_sum3A_164, %reduce_sum3A_165 [1, 2] : vector<1x8x128xf32> to vector<1xf32>
      %reduce_sum3A_167 = vector.shape_cast %reduce_sum3A_166 : vector<1xf32> to vector<1x1x1xf32>
      %reduce_sum3A_168 = vector.extract %reduce_sum3A_167[0, 0, 0] : f32 from vector<1x1x1xf32>
      %max3A = vector.broadcast %reduce_sum3A_88 : f32 to vector<8x128xf32>
      %max3A_169 = arith.maximumf %add3A, %max3A : vector<8x128xf32>
      %max3A_170 = vector.broadcast %reduce_sum3A_96 : f32 to vector<8x128xf32>
      %max3A_171 = arith.maximumf %add3A_43, %max3A_170 : vector<8x128xf32>
      %min3A = vector.broadcast %reduce_sum3A_104 : f32 to vector<8x128xf32>
      %min3A_172 = arith.minimumf %add3A_44, %min3A : vector<8x128xf32>
      %min3A_173 = vector.broadcast %reduce_sum3A_112 : f32 to vector<8x128xf32>
      %min3A_174 = arith.minimumf %add3A_45, %min3A_173 : vector<8x128xf32>
      %sub3A_175 = arith.subf %min3A_172, %max3A_169 : vector<8x128xf32>
      %jit3A_176 = arith.constant 0.000000e+00 : f32
      %max3A_177 = vector.broadcast %jit3A_176 : f32 to vector<8x128xf32>
      %max3A_178 = arith.maximumf %max3A_177, %sub3A_175 : vector<8x128xf32>
      %sub3A_179 = arith.subf %min3A_174, %max3A_171 : vector<8x128xf32>
      %jit3A_180 = arith.constant 0.000000e+00 : f32
      %max3A_181 = vector.broadcast %jit3A_180 : f32 to vector<8x128xf32>
      %max3A_182 = arith.maximumf %max3A_181, %sub3A_179 : vector<8x128xf32>
      %mul3A_183 = arith.mulf %max3A_178, %max3A_182 : vector<8x128xf32>
      %add3A_184 = vector.broadcast %reduce_sum3A_120 : f32 to vector<8x128xf32>
      %add3A_185 = arith.addf %mul3A_47, %add3A_184 : vector<8x128xf32>
      %sub3A_186 = arith.subf %add3A_185, %mul3A_183 : vector<8x128xf32>
      %add3A_187 = arith.constant 9.99999971E-10 : f32
      %add3A_188 = vector.broadcast %add3A_187 : f32 to vector<8x128xf32>
      %add3A_189 = arith.addf %sub3A_186, %add3A_188 : vector<8x128xf32>
      %div3A = arith.divf %mul3A_183, %add3A_189 : vector<8x128xf32>
      %gt3A_190 = arith.constant 6.000000e-01 : f32
      %gt3A_191 = vector.broadcast %gt3A_190 : f32 to vector<8x128xf32>
      %gt3A_192 = arith.cmpf ogt, %div3A, %gt3A_191 : vector<8x128xf32>
      %or3A = arith.ori %gt3A_192, %eq3A_76 : vector<8x128xi1>
      %jit3A_193 = arith.constant -1.000000e+00 : f32
      %broadcast_in_dim3A_194 = vector.broadcast %jit3A_193 : f32 to vector<8x128xf32>
      %select_n3A_195 = arith.select %or3A, %broadcast_in_dim3A_194, %scan3A_62 : vector<8x128xi1>, vector<8x128xf32>
      %eq3A_196 = arith.constant 0 : i32
      %eq3A_197 = vector.broadcast %eq3A_196 : i32 to vector<1x8xi32>
      %eq3A_198 = arith.cmpi eq, %iota3A_55, %eq3A_197 : vector<1x8xi32>
      %jit3A_199 = arith.constant 0.000000e+00 : f32
      %broadcast_in_dim3A_200 = vector.broadcast %reduce_sum3A_144 : f32 to vector<1x8xf32>
      %broadcast_in_dim3A_201 = vector.broadcast %jit3A_199 : f32 to vector<1x8xf32>
      %select_n3A_202 = arith.select %eq3A_198, %broadcast_in_dim3A_200, %broadcast_in_dim3A_201 : vector<1x8xi1>, vector<1x8xf32>
      %eq3A_203 = arith.constant 1 : i32
      %eq3A_204 = vector.broadcast %eq3A_203 : i32 to vector<1x8xi32>
      %eq3A_205 = arith.cmpi eq, %iota3A_55, %eq3A_204 : vector<1x8xi32>
      %jit3A_206 = arith.constant 0.000000e+00 : f32
      %broadcast_in_dim3A_207 = vector.broadcast %reduce_sum3A_152 : f32 to vector<1x8xf32>
      %broadcast_in_dim3A_208 = vector.broadcast %jit3A_206 : f32 to vector<1x8xf32>
      %select_n3A_209 = arith.select %eq3A_205, %broadcast_in_dim3A_207, %broadcast_in_dim3A_208 : vector<1x8xi1>, vector<1x8xf32>
      %add3A_210 = arith.addf %select_n3A_202, %select_n3A_209 : vector<1x8xf32>
      %eq3A_211 = arith.constant 2 : i32
      %eq3A_212 = vector.broadcast %eq3A_211 : i32 to vector<1x8xi32>
      %eq3A_213 = arith.cmpi eq, %iota3A_55, %eq3A_212 : vector<1x8xi32>
      %jit3A_214 = arith.constant 0.000000e+00 : f32
      %broadcast_in_dim3A_215 = vector.broadcast %reduce_sum3A_160 : f32 to vector<1x8xf32>
      %broadcast_in_dim3A_216 = vector.broadcast %jit3A_214 : f32 to vector<1x8xf32>
      %select_n3A_217 = arith.select %eq3A_213, %broadcast_in_dim3A_215, %broadcast_in_dim3A_216 : vector<1x8xi1>, vector<1x8xf32>
      %add3A_218 = arith.addf %add3A_210, %select_n3A_217 : vector<1x8xf32>
      %eq3A_219 = arith.constant 3 : i32
      %eq3A_220 = vector.broadcast %eq3A_219 : i32 to vector<1x8xi32>
      %eq3A_221 = arith.cmpi eq, %iota3A_55, %eq3A_220 : vector<1x8xi32>
      %jit3A_222 = arith.constant 0.000000e+00 : f32
      %broadcast_in_dim3A_223 = vector.broadcast %reduce_sum3A_168 : f32 to vector<1x8xf32>
      %broadcast_in_dim3A_224 = vector.broadcast %jit3A_222 : f32 to vector<1x8xf32>
      %select_n3A_225 = arith.select %eq3A_221, %broadcast_in_dim3A_223, %broadcast_in_dim3A_224 : vector<1x8xi1>, vector<1x8xf32>
      %add3A_226 = arith.addf %add3A_218, %select_n3A_225 : vector<1x8xf32>
      %eq3A_227 = arith.constant 4 : i32
      %eq3A_228 = vector.broadcast %eq3A_227 : i32 to vector<1x8xi32>
      %eq3A_229 = arith.cmpi eq, %iota3A_55, %eq3A_228 : vector<1x8xi32>
      %jit3A_230 = arith.constant 0.000000e+00 : f32
      %broadcast_in_dim3A_231 = vector.broadcast %reduce_sum3A_136 : f32 to vector<1x8xf32>
      %broadcast_in_dim3A_232 = vector.broadcast %jit3A_230 : f32 to vector<1x8xf32>
      %select_n3A_233 = arith.select %eq3A_229, %broadcast_in_dim3A_231, %broadcast_in_dim3A_232 : vector<1x8xi1>, vector<1x8xf32>
      %add3A_234 = arith.addf %add3A_226, %select_n3A_233 : vector<1x8xf32>
      %eq3A_235 = arith.constant 5 : i32
      %eq3A_236 = vector.broadcast %eq3A_235 : i32 to vector<1x8xi32>
      %eq3A_237 = arith.cmpi eq, %iota3A_55, %eq3A_236 : vector<1x8xi32>
      %jit3A_238 = arith.constant 0.000000e+00 : f32
      %broadcast_in_dim3A_239 = vector.broadcast %reduce_sum3A_128 : f32 to vector<1x8xf32>
      %broadcast_in_dim3A_240 = vector.broadcast %jit3A_238 : f32 to vector<1x8xf32>
      %select_n3A_241 = arith.select %eq3A_237, %broadcast_in_dim3A_239, %broadcast_in_dim3A_240 : vector<1x8xi1>, vector<1x8xf32>
      %add3A_242 = arith.addf %add3A_234, %select_n3A_241 : vector<1x8xf32>
      %mul3A_243 = vector.broadcast %select_n3A_81 : f32 to vector<1x8xf32>
      %mul3A_244 = arith.mulf %add3A_242, %mul3A_243 : vector<1x8xf32>
      %swap3A = arith.constant 0 : index
      %swap3A_245 = arith.index_cast %scan3A_61 : i32 to index
      %swap3A_246 = arith.constant 0 : index
      %swap3A_247 = vector.load %arg2[%swap3A, %swap3A_245, %swap3A_246] : memref<1x104x8xf32, #tpu.memory_space<vmem>>, vector<1x1x8xf32>
      %swap3A_248 = vector.shape_cast %swap3A_247 : vector<1x1x8xf32> to vector<1x8xf32>
      %swap3A_249 = vector.shape_cast %mul3A_244 : vector<1x8xf32> to vector<1x1x8xf32>
      tpu.vector_store %arg2[%swap3A, %swap3A_245, %swap3A_246], %swap3A_249 {strides = array<i32>} : memref<1x104x8xf32, #tpu.memory_space<vmem>>, vector<1x1x8xf32>,
      scf.yield %select_n3A_195 : vector<8x128xf32>
    }
    %scan3A_60 = arith.constant 100 : i32
    return
  }
  func.func @transform_0(%arg0: i32) -> (i32, i32, i32, i32) {
    %c0_i32 = arith.constant 0 : i32
    %c0_i32_0 = arith.constant 0 : i32
    %c0_i32_1 = arith.constant 0 : i32
    %c0_i32_2 = arith.constant 0 : i32
    return %arg0, %c0_i32, %c0_i32_0, %c0_i32_1 : i32, i32, i32, i32
  }
  func.func @transform_1(%arg0: i32) -> (i32, i32, i32) {
    %c0_i32 = arith.constant 0 : i32
    %c0_i32_0 = arith.constant 0 : i32
    %c0_i32_1 = arith.constant 0 : i32
    return %arg0, %c0_i32, %c0_i32_0 : i32, i32, i32
  }
}

</mosaic_0001>

<sc_bundles>
// kernel: gather_offload_async_start.1
scs
__scs_entry_jumppad:
0x0: {  	(pc) =	sbr.rel $0x88, $3  }
0x1: {  	(tag) =	ssettag $0x0;
	lr =	simm.s32 $0x1  }
0x2: {  	[smem:$0x3F9C] =	sst lr;
	_ =	strace $0xD0000000  }
0x3: {  	_ = 	snop  }
0x4: {  	_ = 	snop  }
0x5: {  	_ = 	snop  }
0x6: {  	_ = 	snop  }
0x7: {  	_ = 	snop  }
__scs_overlays_trampoline_lowered:
0x8: {  	[smem:$0x3FAB] =	sst s0  }
0x9: {  	[smem:$0x3FAC] =	sst s1  }
0xa: {  	[smem:$0x3FAD] =	sst s2  }
0xb: {  	[smem:$0x3FAE] =	sst s3  }
0xc: {  	[smem:$0x3FAF] =	sst s4  }
0xd: {  	[smem:$0x3FB0] =	sst s5  }
0xe: {  	[smem:$0x3FB1] =	sst s6  }
0xf: {  	[smem:$0x3FB2] =	sst s7  }
0x10: {  	[smem:$0x3FB3] =	sst s8  }
0x11: {  	[smem:$0x3FB4] =	sst s9;
	s0 =	simm.s32 @!p0 $0x0  }
0x12: {  	s1 =	sld [smem:$0x3F9A];
	s0 =	simm.s32 @p0 $0x1  }
0x13: {  	[smem:$0x3FB5] =	sst s0;
	s0 =	simm.s32 @!p1 $0x0  }
0x14: {  	s2 =	sld [smem:$0x3F99];
	s0 =	simm.s32 @p1 $0x1  }
0x15: {  	[smem:$0x3FB6] =	sst s0;
	s0 =	simm.s32 @!p2 $0x0  }
0x16: {  	s3 =	sld [smem:$0x3FDB];
	s0 =	simm.s32 @p2 $0x1  }
0x17: {  	s4 =	simm.s32 $0x1BF5;
	[smem:$0x3FB8] =	sst s0  }
0x18: {  	s0 =	sld [smem:$0x3F9B];
	_ =	swait.ge [sflag:s4], $0x0  }
0x19: {  	s7 =	sld [smem:$0x3F9C]  }
0x1a: {  	s8 =	sadd.s32 $0xFFFFE003, lr  }
0x1b: {  	s9 =	sadd.s32 $0xFFFFFEF7, lr;
	s5 =	simm.s32 $0xFFFFFFFF;
	p2 =	slt.u32 s8, $0xFFFFF086  }
0x1c: {  	p1 =	slt.u32 s9, $0xF7A;
	s5 =	simm.s32 @!p2 $0x0  }
0x1d: {  	s5 =	simm.s32 @p1 $0x1;
	p0 =	seq.s32 s7, s2  }
0x1e: {  	s7 =	smul.u32 @!p0 $0xF7A, s2;
	p2 =	seq.s32 @!p0 s5, $0x0  }
0x1f: {  	s9 =	smul.u32 $0xF7A, s1;
	s8 =	simm.s32 @!p0 $0x1BF5;
	p2 =	por !p2, p0  }
0x20: {  	[sflag:s8] =	ssyncset.s32 @!p0 $0xFFFFF086;
	s6 =	sadd.s32 @!p0 s3, s7;
	s7 =	simm.s32 @!p0 $0x108  }
0x21: {  	s3 =	sadd.s32 s3, s9;
	s6 =	sadd.s32 @!p0 $0x88, s6;
	s7 =	simm.s32 @p2 $0x1082  }
0x22: {  	[simem:s7], [sflag:s8] =	dma.local @!p0 [hbm:s6], $0xF7A  }
0x23: {  	s9 =	sor.u32 $0xD0000000, s2;
	s6 =	simm.s32 $0x108;
	_ =	swait.ge @!p0 [sflag:s8], $0x0  }
0x24: {  	s3 =	sadd.s32 $0x88, s3;
	s6 =	simm.s32 @!p1 $0x1082;
	[sflag:s4] =	ssyncset.s32 $0xFFFFF086  }
0x25: {  	[simem:s6], [sflag:s4] =	dma.local [hbm:s3], $0xF7A  }
0x26: {  	[smem:$0x3F9C] =	sst s1;
	(tag) =	ssettag s2;
	_ =	strace s9  }
0x27: {  	s1 =	sld [smem:$0x3FAC]  }
0x28: {  	s2 =	sld [smem:$0x3FAD]  }
0x29: {  	s4 =	sld [smem:$0x3FAF]  }
0x2a: {  	p0 =	seq.s32 s5, $0x0;
	s5 =	sld [smem:$0x3FB0]  }
0x2b: {  	s6 =	sld [smem:$0x3FB1]  }
0x2c: {  	s7 =	sld [smem:$0x3FB2]  }
0x2d: {  	s3 =	simm.s32 $0x108;
	s8 =	sld [smem:$0x3FB3]  }
0x2e: {  	s3 =	simm.s32 @!p0 $0x1082;
	s9 =	sld [smem:$0x3FB4]  }
0x2f: {  	lr =	sadd.s32 s0, s3;
	s0 =	sld [smem:$0x3FAB]  }
0x30: {  	s3 =	sld [smem:$0x3FAE]  }
0x31: {  	[smem:$0x3FB7] =	sst s10  }
0x32: {  	s10 =	sld [smem:$0x3FB5];
	_ =	sdelay $0x3  }
0x33: {  	p0 =	seq.s32 s10, $0x1;
	s10 =	sld [smem:$0x3FB7];
	_ =	sdelay $0x3  }
0x34: {  	[smem:$0x3FB7] =	sst s10  }
0x35: {  	s10 =	sld [smem:$0x3FB6];
	_ =	sdelay $0x3  }
0x36: {  	p1 =	seq.s32 s10, $0x1;
	s10 =	sld [smem:$0x3FB7];
	_ =	sdelay $0x3  }
0x37: {  	[smem:$0x3FB7] =	sst s10  }
0x38: {  	s10 =	sld [smem:$0x3FB8]  }
0x39: {  	_ = 	snop;
	(pc) =	sbr.ind lr, $3  }
0x3a: {  	_ = 	snop  }
0x3b: {  	_ = 	snop  }
0x3c: {  	p2 =	seq.s32 s10, $0x1;
	s10 =	sld [smem:$0x3FB7]  }
0x3d: {  	_ =	shalt  }
0x3e: {  	_ =	shalt  }
0x3f: {  	_ =	shalt  }
0x40: {  	_ =	shalt  }
0x41: {  	_ =	shalt  }
0x42: {  	_ =	shalt  }
0x43: {  	_ =	shalt  }
0x44: {  	_ =	shalt  }
0x45: {  	_ =	shalt  }
0x46: {  	_ =	shalt  }
0x47: {  	_ =	shalt  }
0x48: {  	_ =	shalt  }
0x49: {  	_ =	shalt  }
0x4a: {  	_ =	shalt  }
0x4b: {  	_ =	shalt  }
0x4c: {  	_ =	shalt  }
0x4d: {  	_ =	shalt  }
0x4e: {  	_ =	shalt  }
0x4f: {  	_ =	shalt  }
0x50: {  	_ =	shalt  }
0x51: {  	_ =	shalt  }
0x52: {  	_ =	shalt  }
0x53: {  	_ =	shalt  }
0x54: {  	_ =	shalt  }
0x55: {  	_ =	shalt  }
0x56: {  	_ =	shalt  }
0x57: {  	_ =	shalt  }
0x58: {  	_ =	shalt  }
0x59: {  	_ =	shalt  }
0x5a: {  	_ =	shalt  }
0x5b: {  	_ =	shalt  }
0x5c: {  	_ =	shalt  }
0x5d: {  	_ =	shalt  }
0x5e: {  	_ =	shalt  }
0x5f: {  	_ =	shalt  }
0x60: {  	_ =	shalt  }
0x61: {  	_ =	shalt  }
0x62: {  	_ =	shalt  }
0x63: {  	_ =	shalt  }
0x64: {  	_ =	shalt  }
0x65: {  	_ =	shalt  }
0x66: {  	_ =	shalt  }
0x67: {  	_ =	shalt  }
0x68: {  	_ =	shalt  }
0x69: {  	_ =	shalt  }
0x6a: {  	_ =	shalt  }
0x6b: {  	_ =	shalt  }
0x6c: {  	_ =	shalt  }
0x6d: {  	_ =	shalt  }
0x6e: {  	_ =	shalt  }
0x6f: {  	_ =	shalt  }
0x70: {  	_ =	shalt  }
0x71: {  	_ =	shalt  }
0x72: {  	_ =	shalt  }
0x73: {  	_ =	shalt  }
0x74: {  	_ =	shalt  }
0x75: {  	_ =	shalt  }
0x76: {  	_ =	shalt  }
0x77: {  	_ =	shalt  }
0x78: {  	_ =	shalt  }
0x79: {  	_ =	shalt  }
0x7a: {  	_ =	shalt  }
0x7b: {  	_ =	shalt  }
0x7c: {  	_ =	shalt  }
0x7d: {  	_ =	shalt  }
0x7e: {  	_ =	shalt  }
0x7f: {  	_ =	shalt  }
0x80: {  	_ =	shalt  }
0x81: {  	_ =	shalt  }
0x82: {  	_ =	shalt  }
0x83: {  	_ =	shalt  }
0x84: {  	_ =	shalt  }
0x85: {  	_ =	shalt  }
0x86: {  	_ =	shalt  }
0x87: {  	_ =	shalt  }
.Lfunc_end0:
.L_simem_size_0:
called_computation.1_lowered:
.L_overlay_start_0:
0x88: {  	s2 =	sld [smem:$0x3FD9]  }
0x89: {  	s3 =	sld [smem:$0x3FFE];
	_ =	sdelay $0x1  }
0x8a: {  	s1 =	srdreg.scid  }
0x8b: {  	s0 =	sand.u32 $0x1, s1  }
0x8c: {  	s17 =	sshll.u32 s0, $0xA;
	s2 =	sadd.s32 s3, s2  }
0x8d: {  	s2 =	sadd.s32 s2, s17  }
0x8e: {  	[smem:$0x3FC3] =	sst s2  }
0x8f: {  	_ = 	snop  }
0x90: {  	(tm) =	ssettm $0x1  }
0x91: {  	s18 =	sld [smem:$0x3FFB];
	_ =	sdelay $0x3  }
0x92: {  	_ =	strace s18  }
0x93: {  	s2 =	sld [smem:$0x3FFC];
	_ =	sdelay $0x3  }
0x94: {  	_ =	strace s2  }
0x95: {  	s2 =	sld [smem:$0x3FFD];
	_ =	sdelay $0x3  }
0x96: {  	_ =	strace s2  }
0x97: {  	_ =	strace $0x8FFFFFFF  }
0x98: {  	s19 =	sld [smem:$0x3FDB];
	_ =	sdelay $0x1  }
0x99: {  	s20 =	simm.s32 $_scs_section_size  }
0x9a: {  	s4 =	simm.s32 $_size__tile_overlayer_lowered;
	s5 =	simm.s32 $_tile_overlayer_lowered  }
0x9b: {  	s6 =	simm.s32 $0x1BFF;
	s21 =	sshll.u32 s5, $0x1;
	s3 =	sadd.s32 s20, s19  }
0x9c: {  	s22 =	simm.s32 $0x0;
	s4 =	sshll.u32 s4, $0x1;
	s5 =	sadd.s32 s21, s3  }
0x9d: {  	[timem:s22], [sflag:s6] =	dma.local [hbm:s5], s4  }
0x9e: {  	_ =	swait.ge [sflag:s6], s4  }
0x9f: {  	s4 =	ssub.s32 $0x0, s4;
	[sflag:s6] =	ssyncset.done $0x0  }
0xa0: {  	[sflag:s6] =	ssyncadd.s32 s4;
	_ =	sdelay $0x1  }
0xa1: {  	s23 =	simm.s32 $0x1B8B  }
0xa2: {  	_ =	swait.ge [sflag:s23], $0x1  }
0xa3: {  	[sflag:s23] =	ssyncset.done $0x0  }
0xa4: {  	[sflag:s23] =	ssyncadd.s32 $0xFFFFFFFF  }
0xa5: {  	s4 =	sld [smem:$0x0]  }
0xa6: {  	s5 =	sand.u32 $0xFFFFFFFE, s1  }
0xa7: {  	p0 =	sne.s32 s1, s5  }
0xa8: {  	s5 =	sshll.u32 @p0 s5, $0xE  }
0xa9: {  	s5 =	sadd.s32 @p0 $0x11B8D, s5;
	s6 =	sshll.u32 @p0 s4, $0x11  }
0xaa: {  	s5 =	sor.u32 @p0 s6, s5  }
0xab: {  	[sflag:s5] =	ssyncadd.remote.s32 @p0 $0x1;
	_ =	sdelay $0x1  }
0xac: {  	s5 =	simm.s32 @p0 $0x1B8D  }
0xad: {  	_ =	swait.eq @p0 [sflag:s5], $0x1  }
0xae: {  	[sflag:s5] =	ssyncadd.s32 @p0 $0xFFFFFFFF  }
0xaf: {  	s6 =	sshll.u32 @!p0 s1, $0xE  }
0xb0: {  	s6 =	sor.u32 @!p0 $0x4000, s6;
	s5 =	simm.s32 @!p0 $0x1B8D  }
0xb1: {  	s4 =	sshll.u32 @!p0 s4, $0x11;
	s6 =	sadd.s32 @!p0 $0x11B8D, s6;
	_ =	swait.eq @!p0 [sflag:s5], $0x1  }
0xb2: {  	s4 =	sor.u32 @!p0 s4, s6;
	[sflag:s5] =	ssyncadd.s32 @!p0 $0xFFFFFFFF  }
0xb3: {  	s25 =	simm.s32 $0x1B8E;
	s24 =	sld [smem:$0x3FFE];
	[sflag:s4] =	ssyncadd.remote.s32 @!p0 $0x1  }
0xb4: {  	s26 =	simm.s32 $execute0_lowered;
	[smem:$0x3FD2] =	sst s25  }
0xb5: {  	s5 =	sshll.u32 s26, $0x1;
	_ =	strace $0x8000004C;
	[dreg:$0x1] =	wrdreg $0xFFFFFFFF  }
0xb6: {  	s28 =	simm.s32 $_size_execute0_lowered;
	s3 =	sadd.s32 s3, s5;
	[dreg:$0x0] =	wrdreg $0x0  }
0xb7: {  	s5 =	sshll.u32 s28, $0x1;
	[dreg:$0x2] =	wrdreg s3  }
0xb8: {  	[dreg:$0x3] =	wrdreg s5  }
0xb9: {  	[dreg:$0x4] =	wrdreg $0xC0  }
0xba: {  	_ =	task [dreg:s22], $0x5FFFF  }
0xbb: {  	[dreg:$0x1] =	wrdreg $0xFFFFFFFF  }
0xbc: {  	[dreg:$0x0] =	wrdreg $0x60  }
0xbd: {  	[dreg:$0x2] =	wrdreg s24  }
0xbe: {  	[dreg:$0x3] =	wrdreg $0xA  }
0xbf: {  	_ =	task.clear_ibuf [dreg:s22], $0x4FFFF;
	_ =	strace $0x9000004C  }
0xc0: {  	s29 =	simm.s32 $0xA;
	_ =	strace $0x8000004E  }
0xc1: {  	_ =	swait.ge [sflag:s29], $0x1  }
0xc2: {  	[sflag:s29] =	ssyncadd.s32 $0xFFFFFFFF  }
0xc3: {  	_ =	strace $0x9000004E  }
0xc4: {  	_ =	sfence  }
0xc5: {  	s30 =	sld [smem:$0x0];
	_ =	sdelay $0x2  }
0xc6: {  	s31 =	sshll.u32 s1, $0xD;
	s1 =	sshrl.u32 s1, $0x2  }
0xc7: {  	s4 =	sand.u32 $0x4000, s31;
	s1 =	sadd.s32 s1, s30  }
0xc8: {  	s0 =	sor.u32 s4, s0;
	s1 =	sshll.u32 s1, $0x11  }
0xc9: {  	s0 =	sor.u32 s1, s0  }
0xca: {  	s0 =	sadd.s32 $0x8F2B, s0  }
0xcb: {  	[sflag:s0] =	ssyncadd.remote.s32 $0x1  }
0xcc: {  	_ =	sfence.sel $0xFFFF  }
0xcd: {  	[dreg:$0x0] =	wrdreg $0xFFFFFFFF;
	(pc) =	sbr.abs _section_cstart, $3  }
0xce: {  	[dreg:$0x1] =	wrdreg $0xFFFFFFFF  }
0xcf: {  	_ =	task.clear_ibuf [dreg:s22], $0x2FFFF;
	_ =	strace $0x9FFFFFFF  }
0xd0: {  	(tm) =	ssettm $0x7FFFFFFF  }
0xd1: {  	_ =	shalt  }
tec
execute0_lowered:
.L_overlay_start_1:
0x0: {  	(tag) =	ssettag $0x1  }
0x1: {  	s0 =	srdreg.scid  }
0x2: {  	s1 =	sshll.u32 s0, $0x4  }
0x3: {  	s0 =	stileid.u32;
	s1 =	sand.u32 $0x10, s1  }
0x4: {  	s1 =	sor.u32 s0, s1  }
0x5: {  	s2 =	smin.u32 s1, $0x12  }
0x6: {  	s2 =	sadd.s32 s1, s2  }
0x7: {  	p0 =	slt.u32 s1, $0x12;
	s1 =	simm.s32 $0xA0;
	s2 =	smul.u32 $0x50, s2  }
0x8: {  	s1 =	simm.s32 @!p0 $0x50  }
0x9: {  	s1 =	sadd.s32 s1, s2  }
0xa: {  	s3 =	smin.u32 s1, $0xFA0  }
0xb: {  	s7 =	ssub.s32 s3, s2  }
0xc: {  	p0 =	sgt.s32 s7, $0x0  }
0xd: {  	s7 =	simm.s32 @!p0 $0x0  }
0xe: {  	s31 =	smul.u32 $0xCCCD, s7  }
0xf: {  	s9 =	rddreg [dreg:$0x0];
	s6 =	simm.s32 $0x1;
	s11 =	simm.s32 $0x3  }
0x10: {  	s13 =	simm.s32 $0x0;
	s12 =	simm.s32 $0x0;
	s8 =	sshrl.u32 s31, $0x16  }
0x11: {  	s4 =	sadd.s32 $0x8F600, s9;
	s5 =	sadd.s32 $0x400, s9;
	s10 =	smul.u32 $0x50, s8  }
.Ltmp0:
0x12: {  	s9 =	sadd.s32 $0x1F400, s9;
	s1 =	rddreg [dreg:$0x1];
	(pc) =	sbr.rel .LBB2_1-.Ltmp0, $4  }
0x13: {  	_ =	strace $0x8000004D;
	p0 =	sne.s32 s7, s10;
	s10 =	simm.s32 $0x1  }
0x14: {  	[sflag:s6] =	ssyncpa.u1 $0x0;
	s7 =	simm.s32 $0x2;
	s10 =	simm.s32 @!p0 $0x0  }
0x15: {  	[sflag:s7] =	ssyncpa.u1 $0x0;
	p0 =	por $0x0, $0x0;
	s8 =	sadd.s32 s8, s10  }
0x16: {  	vm0 =	vmmov $0xff;
	vm1 =	vcmask $0x3F20;
	[sflag:s11] =	ssyncpa.u1 $0x0;
	s11 =	smov.u32 s2;
	s10 =	sadd.s32 $0x1, s8  }
.LBB2_6:
0x17: {  	[hbm:s17] =	stream.linear.scatter [tilespmem:s14], [sflag:$0x3], $0x400, $0x38;
	[tilespmem:$0x50A0] =	vst v63  }
.LBB2_7:
0x18: {  	s13 =	sadd.s32 $0x50, s11  }
0x19: {  	s15 =	smov.u32 s2;
	p2 =	slt.s32 s13, s3  }
0x1a: {  	s15 =	smov.u32 @p2 s13;
	p2 =	sne.s32 s12, s10  }
.Ltmp1:
0x1b: {  	p1 =	slt.u32 s12, $0x2;
	(pc) =	sbr.rel @!p2 .LBB2_8-.Ltmp1, $4  }
0x1c: {  	s14 =	simm.s32 @!p1 $0x3  }
0x1d: {  	s16 =	sadd.s32 $0x1, s12;
	_ =	swait.ge @!p1 [sflag:s14], $0x2800  }
0x1e: {  	p0 =	por !p0, !p0;
	s13 =	smov.u32 s11;
	[sflag:s14] =	ssyncset.done @!p1 $0x0  }
0x1f: {  	s12 =	smov.u32 s16;
	s11 =	smov.u32 s15;
	[sflag:s14] =	ssyncadd.s32 @!p1 $0xFFFFD800  }
.LBB2_1:
0x20: {  	p1 =	sge.u32 s12, s8  }
0x21: {  	s14 =	sxor.u32 @!p1 $0xFFFFFFFF, s12  }
0x22: {  	s14 =	sand.u32 @!p1 $0x1, s14  }
0x23: {  	s14 =	smul.u32 @!p1 $0x140, s14  }
0x24: {  	s31 =	sadd.s32 $0xFFFFFFFF, s12;
	s15 =	sshrl.u32 @!p1 s11, $0x3  }
0x25: {  	s16 =	sand.u32 @!p1 $0x7, s11;
	s15 =	sadd.s32 @!p1 s5, s15;
	s14 =	sshrl.u32 @!p1 s14, $0x2  }
0x26: {  	[tilespmem:s14], [sflag:$0x2] =	stream.linear.gather @!p1 [hbm4b:s15+s16], $0x50, $0x38;
	[tilespmem:$0x50A0] =	vst v63  }
0x27: {  	p1 =	sge.u32 s31, s8  }
.Ltmp2:
0x28: {  	_ = 	snop;
	(pc) =	sbr.rel @p1 .LBB2_7-.Ltmp2, $1  }
0x29: {  	_ =	sdelay $0x3  }
0x2a: {  	s14 =	simm.s32 $0x1  }
0x2b: {  	s14 =	simm.s32 @!p0 $0x0  }
0x2c: {  	s15 =	smul.u32 $0x140, s14  }
0x2d: {  	_ =	swait.ge [sflag:s7], $0x50  }
0x2e: {  	[sflag:s7] =	ssyncset.done $0x0;
	s16 =	sshrl.u32 s15, $0x2  }
0x2f: {  	[sflag:s7] =	ssyncadd.s32 $0xFFFFFFB0;
	s15 =	sadd.s32 $0x0, s16  }
0x30: {  	v0 =	vld.msk [tilespmem:s15+$0x0 ss:$0x1], $0xffff;
	_ =	sdelay $0x4  }
0x31: {  	v1 =	vand.u32 $0x3, v0;
	v2 =	vshll.u32 v0, $0x5  }
0x32: {  	vm2 =	veq.s32 v0, $0x80000000;
	v0 =	vmul.u32 $0x1DB000, v1;
	v1 =	vand.u32 $0x1FFF80, v2  }
0x33: {  	v1 =	vsel vm2, $0xFFFFFF80, v1  }
0x34: {  	v0 =	vsel vm2, $0xFFE25000, v0;
	v2 =	vand.u32 $0xFFFFFC00, v1  }
0x35: {  	v1 =	vand.u32 $0x380, v1;
	v0 =	vadd.s32 v0, v2  }
0x36: {  	v0 =	vor.u32 v1, v0  }
0x37: {  	v0 =	vshrl.u32 v0, $0x3  }
0x38: {  	s14 =	smul.u32 $0xA000, s14;
	_ =	sdelay $0x1  }
0x39: {  	s14 =	sshrl.u32 s14, $0x2  }
0x3a: {  	s14 =	sor.u32 $0xA0, s14  }
0x3b: {  	[tilespmem:s14], [sflag:$0x1] =	stream.indirect_vreg.gather [hbm:s4], $0x80, v0, vm0, $0x38;
	[tilespmem:$0x50A0] =	vst v63  }
0x3c: {  	s17 =	sadd.s32 $0x10, s16;
	s15 =	sadd.s32 $0x400, s14  }
0x3d: {  	[tilespmem:s15], [sflag:$0x1] =	stream.indirect_vreg.gather [hbm:s4], $0x80, v0, vm1, $0x38;
	[tilespmem:$0x50A0] =	vst v63  }
0x3e: {  	s18 =	simm.s32 $0x80;
	v0 =	vld.msk [tilespmem:s17+$0x0 ss:$0x1], $0xffff;
	s17 =	smov.u32 s14  }
.LBB2_3:
0x3f: {  	p1 =	sne.s32 s18, $0x100;
	_ =	sdelay $0x4  }
0x40: {  	v1 =	vand.u32 $0x3, v0;
	v2 =	vshll.u32 v0, $0x5  }
0x41: {  	vm2 =	veq.s32 v0, $0x80000000;
	v0 =	vmul.u32 $0x1DB000, v1;
	v1 =	vand.u32 $0x1FFF80, v2  }
0x42: {  	v1 =	vsel vm2, $0xFFFFFF80, v1  }
0x43: {  	v0 =	vsel vm2, $0xFFE25000, v0;
	v2 =	vand.u32 $0xFFFFFC00, v1  }
0x44: {  	v1 =	vand.u32 $0x380, v1;
	v0 =	vadd.s32 v0, v2  }
0x45: {  	v0 =	vor.u32 v1, v0  }
0x46: {  	v0 =	vshrl.u32 v0, $0x3;
	_ =	sdelay $0x3  }
.Ltmp3:
0x47: {  	s19 =	sshra.s32 s18, $0x2;
	s17 =	sadd.s32 $0x800, s17;
	(pc) =	sbr.rel @p1 .LBB2_3-.Ltmp3, $4  }
0x48: {  	[tilespmem:s17], [sflag:$0x1] =	stream.indirect_vreg.gather [hbm:s4], $0x80, v0, vm0, $0x38;
	[tilespmem:$0x50A0] =	vst v63  }
0x49: {  	s19 =	sadd.s32 s19, s16;
	s20 =	sadd.s32 $0x400, s17  }
0x4a: {  	[tilespmem:s20], [sflag:$0x1] =	stream.indirect_vreg.gather [hbm:s4], $0x80, v0, vm1, $0x38;
	[tilespmem:$0x50A0] =	vst v63  }
0x4b: {  	s18 =	sadd.s32 $0x40, s18;
	v0 =	vld.msk [tilespmem:s19+$0x0 ss:$0x1], $0xffff  }
0x4c: {  	_ =	sdelay $0x3  }
0x4d: {  	v1 =	vand.u32 $0x3, v0;
	v2 =	vshll.u32 v0, $0x5  }
0x4e: {  	vm2 =	veq.s32 v0, $0x80000000;
	v61 =	vmul.u32 $0x1DB000, v1;
	v62 =	vand.u32 $0x1FFF80, v2  }
0x4f: {  	v1 =	vsel vm2, $0xFFFFFF80, v62  }
0x50: {  	v0 =	vsel vm2, $0xFFE25000, v61;
	v63 =	vand.u32 $0xFFFFFC00, v1  }
0x51: {  	v1 =	vand.u32 $0x380, v1;
	v0 =	vadd.s32 v0, v63  }
0x52: {  	v0 =	vor.u32 v1, v0  }
0x53: {  	v0 =	vshrl.u32 v0, $0x3;
	_ =	sdelay $0x3  }
0x54: {  	s16 =	sadd.s32 $0x800, s17  }
0x55: {  	[tilespmem:s16], [sflag:$0x1] =	stream.indirect_vreg.gather [hbm:s4], $0x80, v0, vm0, $0x38;
	[tilespmem:$0x50A0] =	vst v63  }
0x56: {  	s16 =	sadd.s32 $0x400, s16  }
0x57: {  	[tilespmem:s16], [sflag:$0x1] =	stream.indirect_vreg.gather [hbm:s4], $0x80, v0, vm1, $0x38;
	[tilespmem:$0x50A0] =	vst v63  }
0x58: {  	s13 =	sshll.u32 s13, $0x4;
	_ =	swait.ge [sflag:s6], $0x2800  }
0x59: {  	s13 =	sadd.s32 s13, s9;
	[sflag:s6] =	ssyncset.done $0x0  }
0x5a: {  	s17 =	sadd.s32 $0x0, s13;
	s16 =	simm.s32 $0x80;
	[sflag:s6] =	ssyncadd.s32 $0xFFFFD800  }
.LBB2_5:
0x5b: {  	[hbm:s17] =	stream.linear.scatter [tilespmem:s14], [sflag:$0x3], $0x400, $0x38;
	[tilespmem:$0x50A0] =	vst v63  }
0x5c: {  	s17 =	smov.u32 s16;
	s14 =	smov.u32 s15;
	p1 =	sne.s32 s16, $0x480  }
.Ltmp4:
0x5d: {  	s16 =	sadd.s32 $0x80, s16;
	(pc) =	sbr.rel @p1 .LBB2_5-.Ltmp4, $2  }
0x5e: {  	_ =	sdelay $0x2  }
0x5f: {  	s15 =	sadd.s32 $0x400, s15;
	s17 =	sadd.s32 s17, s13  }
.Ltmp5:
0x60: {  	_ = 	snop;
	(pc) =	sbr.rel .LBB2_6-.Ltmp5, $1  }
0x61: {  	_ =	sdelay $0x3  }
.LBB2_8:
0x62: {  	_ =	sfence.sel $0x180000  }
0x63: {  	s2 =	simm.s32 $0x2;
	[bflag:$0x0] =	sbarrier.arrive $0xFFFF  }
0x64: {  	s30 =	simm.s32 $0x3;
	[sflag:s2] =	ssyncpa.u1 $0x1  }
0x65: {  	s31 =	simm.s32 $0x1;
	[sflag:s30] =	ssyncpa.u1 $0x1  }
0x66: {  	[sflag:s31] =	ssyncpa.u1 $0x1  }
0x67: {  	p0 =	sne.s32 s0, $0x0;
	_ =	strace $0x9000004D  }
0x68: {  	s0 =	sadd.s32 @!p0 $0x100000, s1;
	[bflag:$0x2] =	sbarrier.arrive $0xFFFF  }
0x69: {  	[sflag:s0] =	ssyncadd.tile.s32 @!p0 $0x1;
	_ =	shalt  }
.Lfunc_end2:
_tile_overlayer_lowered:
.L_overlay_start_2:
0x6a: {  	(tag) =	ssettag $0x2  }
0x6b: {  	s0 =	rddreg [dreg:$0x0];
	s2 =	stileid.u32  }
0x6c: {  	s1 =	rddreg [dreg:$0x1];
	p0 =	sne.s32 s2, $0x0  }
0x6d: {  	s3 =	rddreg [dreg:$0x2];
	[bflag:$0x3] =	sbarrier.arrive $0xFFFF;
	s2 =	simm.s32 @!p0 $0x1C01  }
0x6e: {  	[timem:s3], [sflag:s2] =	dma.local @!p0 [hbm:s0], s1  }
0x6f: {  	s0 =	simm.s32 @!p0 $0x1  }
0x70: {  	_ =	swait.ge @!p0 [sflag:s0], s1  }
0x71: {  	s1 =	ssub.s32 @!p0 $0x0, s1;
	[sflag:s0] =	ssyncset.done @!p0 $0x0  }
0x72: {  	[sflag:s0] =	ssyncadd.s32 @!p0 s1  }
0x73: {  	[bflag:$0x3] =	sbarrier.arrive $0xFFFF  }
0x74: {  	_ =	shalt  }

// kernel: gather_offload_async_start.2
scs
__scs_entry_jumppad:
0x0: {  	(pc) =	sbr.rel $0x88, $3  }
0x1: {  	(tag) =	ssettag $0x0;
	lr =	simm.s32 $0x1  }
0x2: {  	[smem:$0x3F9C] =	sst lr;
	_ =	strace $0xD0000000  }
0x3: {  	_ = 	snop  }
0x4: {  	_ = 	snop  }
0x5: {  	_ = 	snop  }
0x6: {  	_ = 	snop  }
0x7: {  	_ = 	snop  }
__scs_overlays_trampoline_lowered:
0x8: {  	[smem:$0x3FAB] =	sst s0  }
0x9: {  	[smem:$0x3FAC] =	sst s1  }
0xa: {  	[smem:$0x3FAD] =	sst s2  }
0xb: {  	[smem:$0x3FAE] =	sst s3  }
0xc: {  	[smem:$0x3FAF] =	sst s4  }
0xd: {  	[smem:$0x3FB0] =	sst s5  }
0xe: {  	[smem:$0x3FB1] =	sst s6  }
0xf: {  	[smem:$0x3FB2] =	sst s7  }
0x10: {  	[smem:$0x3FB3] =	sst s8  }
0x11: {  	[smem:$0x3FB4] =	sst s9;
	s0 =	simm.s32 @!p0 $0x0  }
0x12: {  	s1 =	sld [smem:$0x3F9A];
	s0 =	simm.s32 @p0 $0x1  }
0x13: {  	[smem:$0x3FB5] =	sst s0;
	s0 =	simm.s32 @!p1 $0x0  }
0x14: {  	s2 =	sld [smem:$0x3F99];
	s0 =	simm.s32 @p1 $0x1  }
0x15: {  	[smem:$0x3FB6] =	sst s0;
	s0 =	simm.s32 @!p2 $0x0  }
0x16: {  	s3 =	sld [smem:$0x3FDB];
	s0 =	simm.s32 @p2 $0x1  }
0x17: {  	s4 =	simm.s32 $0x1BF5;
	[smem:$0x3FB8] =	sst s0  }
0x18: {  	s0 =	sld [smem:$0x3F9B];
	_ =	swait.ge [sflag:s4], $0x0  }
0x19: {  	s7 =	sld [smem:$0x3F9C]  }
0x1a: {  	s8 =	sadd.s32 $0xFFFFE003, lr  }
0x1b: {  	s9 =	sadd.s32 $0xFFFFFEF7, lr;
	s5 =	simm.s32 $0xFFFFFFFF;
	p2 =	slt.u32 s8, $0xFFFFF086  }
0x1c: {  	p1 =	slt.u32 s9, $0xF7A;
	s5 =	simm.s32 @!p2 $0x0  }
0x1d: {  	s5 =	simm.s32 @p1 $0x1;
	p0 =	seq.s32 s7, s2  }
0x1e: {  	s7 =	smul.u32 @!p0 $0xF7A, s2;
	p2 =	seq.s32 @!p0 s5, $0x0  }
0x1f: {  	s9 =	smul.u32 $0xF7A, s1;
	s8 =	simm.s32 @!p0 $0x1BF5;
	p2 =	por !p2, p0  }
0x20: {  	[sflag:s8] =	ssyncset.s32 @!p0 $0xFFFFF086;
	s6 =	sadd.s32 @!p0 s3, s7;
	s7 =	simm.s32 @!p0 $0x108  }
0x21: {  	s3 =	sadd.s32 s3, s9;
	s6 =	sadd.s32 @!p0 $0x88, s6;
	s7 =	simm.s32 @p2 $0x1082  }
0x22: {  	[simem:s7], [sflag:s8] =	dma.local @!p0 [hbm:s6], $0xF7A  }
0x23: {  	s9 =	sor.u32 $0xD0000000, s2;
	s6 =	simm.s32 $0x108;
	_ =	swait.ge @!p0 [sflag:s8], $0x0  }
0x24: {  	s3 =	sadd.s32 $0x88, s3;
	s6 =	simm.s32 @!p1 $0x1082;
	[sflag:s4] =	ssyncset.s32 $0xFFFFF086  }
0x25: {  	[simem:s6], [sflag:s4] =	dma.local [hbm:s3], $0xF7A  }
0x26: {  	[smem:$0x3F9C] =	sst s1;
	(tag) =	ssettag s2;
	_ =	strace s9  }
0x27: {  	s1 =	sld [smem:$0x3FAC]  }
0x28: {  	s2 =	sld [smem:$0x3FAD]  }
0x29: {  	s4 =	sld [smem:$0x3FAF]  }
0x2a: {  	p0 =	seq.s32 s5, $0x0;
	s5 =	sld [smem:$0x3FB0]  }
0x2b: {  	s6 =	sld [smem:$0x3FB1]  }
0x2c: {  	s7 =	sld [smem:$0x3FB2]  }
0x2d: {  	s3 =	simm.s32 $0x108;
	s8 =	sld [smem:$0x3FB3]  }
0x2e: {  	s3 =	simm.s32 @!p0 $0x1082;
	s9 =	sld [smem:$0x3FB4]  }
0x2f: {  	lr =	sadd.s32 s0, s3;
	s0 =	sld [smem:$0x3FAB]  }
0x30: {  	s3 =	sld [smem:$0x3FAE]  }
0x31: {  	[smem:$0x3FB7] =	sst s10  }
0x32: {  	s10 =	sld [smem:$0x3FB5];
	_ =	sdelay $0x3  }
0x33: {  	p0 =	seq.s32 s10, $0x1;
	s10 =	sld [smem:$0x3FB7];
	_ =	sdelay $0x3  }
0x34: {  	[smem:$0x3FB7] =	sst s10  }
0x35: {  	s10 =	sld [smem:$0x3FB6];
	_ =	sdelay $0x3  }
0x36: {  	p1 =	seq.s32 s10, $0x1;
	s10 =	sld [smem:$0x3FB7];
	_ =	sdelay $0x3  }
0x37: {  	[smem:$0x3FB7] =	sst s10  }
0x38: {  	s10 =	sld [smem:$0x3FB8]  }
0x39: {  	_ = 	snop;
	(pc) =	sbr.ind lr, $3  }
0x3a: {  	_ = 	snop  }
0x3b: {  	_ = 	snop  }
0x3c: {  	p2 =	seq.s32 s10, $0x1;
	s10 =	sld [smem:$0x3FB7]  }
0x3d: {  	_ =	shalt  }
0x3e: {  	_ =	shalt  }
0x3f: {  	_ =	shalt  }
0x40: {  	_ =	shalt  }
0x41: {  	_ =	shalt  }
0x42: {  	_ =	shalt  }
0x43: {  	_ =	shalt  }
0x44: {  	_ =	shalt  }
0x45: {  	_ =	shalt  }
0x46: {  	_ =	shalt  }
0x47: {  	_ =	shalt  }
0x48: {  	_ =	shalt  }
0x49: {  	_ =	shalt  }
0x4a: {  	_ =	shalt  }
0x4b: {  	_ =	shalt  }
0x4c: {  	_ =	shalt  }
0x4d: {  	_ =	shalt  }
0x4e: {  	_ =	shalt  }
0x4f: {  	_ =	shalt  }
0x50: {  	_ =	shalt  }
0x51: {  	_ =	shalt  }
0x52: {  	_ =	shalt  }
0x53: {  	_ =	shalt  }
0x54: {  	_ =	shalt  }
0x55: {  	_ =	shalt  }
0x56: {  	_ =	shalt  }
0x57: {  	_ =	shalt  }
0x58: {  	_ =	shalt  }
0x59: {  	_ =	shalt  }
0x5a: {  	_ =	shalt  }
0x5b: {  	_ =	shalt  }
0x5c: {  	_ =	shalt  }
0x5d: {  	_ =	shalt  }
0x5e: {  	_ =	shalt  }
0x5f: {  	_ =	shalt  }
0x60: {  	_ =	shalt  }
0x61: {  	_ =	shalt  }
0x62: {  	_ =	shalt  }
0x63: {  	_ =	shalt  }
0x64: {  	_ =	shalt  }
0x65: {  	_ =	shalt  }
0x66: {  	_ =	shalt  }
0x67: {  	_ =	shalt  }
0x68: {  	_ =	shalt  }
0x69: {  	_ =	shalt  }
0x6a: {  	_ =	shalt  }
0x6b: {  	_ =	shalt  }
0x6c: {  	_ =	shalt  }
0x6d: {  	_ =	shalt  }
0x6e: {  	_ =	shalt  }
0x6f: {  	_ =	shalt  }
0x70: {  	_ =	shalt  }
0x71: {  	_ =	shalt  }
0x72: {  	_ =	shalt  }
0x73: {  	_ =	shalt  }
0x74: {  	_ =	shalt  }
0x75: {  	_ =	shalt  }
0x76: {  	_ =	shalt  }
0x77: {  	_ =	shalt  }
0x78: {  	_ =	shalt  }
0x79: {  	_ =	shalt  }
0x7a: {  	_ =	shalt  }
0x7b: {  	_ =	shalt  }
0x7c: {  	_ =	shalt  }
0x7d: {  	_ =	shalt  }
0x7e: {  	_ =	shalt  }
0x7f: {  	_ =	shalt  }
0x80: {  	_ =	shalt  }
0x81: {  	_ =	shalt  }
0x82: {  	_ =	shalt  }
0x83: {  	_ =	shalt  }
0x84: {  	_ =	shalt  }
0x85: {  	_ =	shalt  }
0x86: {  	_ =	shalt  }
0x87: {  	_ =	shalt  }
.Lfunc_end0:
.L_simem_size_0:
called_computation.2_lowered:
.L_overlay_start_0:
0x88: {  	s0 =	sld [smem:$0x3FD9]  }
0x89: {  	s1 =	sld [smem:$0x3FFE];
	_ =	sdelay $0x3  }
0x8a: {  	s0 =	sadd.s32 s1, s0  }
0x8b: {  	[smem:$0x3FC3] =	sst s0  }
0x8c: {  	_ = 	snop  }
0x8d: {  	s0 =	sld [smem:$0x3FD0];
	(tm) =	ssettm $0x1  }
0x8e: {  	s16 =	sld [smem:$0x3FFB];
	_ =	sdelay $0x3  }
0x8f: {  	_ =	strace s16  }
0x90: {  	s1 =	sld [smem:$0x3FFC];
	_ =	sdelay $0x3  }
0x91: {  	_ =	strace s1  }
0x92: {  	s1 =	sld [smem:$0x3FFD];
	_ =	sdelay $0x3  }
0x93: {  	_ =	strace s1  }
0x94: {  	_ =	strace $0x8FFFFFFF  }
0x95: {  	s17 =	sld [smem:$0x3FDB];
	_ =	sdelay $0x1  }
0x96: {  	s2 =	simm.s32 $_scs_section_size  }
0x97: {  	s3 =	simm.s32 $_size__tile_overlayer_lowered;
	s4 =	simm.s32 $_tile_overlayer_lowered  }
0x98: {  	s20 =	simm.s32 $0x1BFF;
	s19 =	sshll.u32 s4, $0x1;
	s1 =	sadd.s32 s2, s17  }
0x99: {  	s5 =	simm.s32 $0x0;
	s18 =	sshll.u32 s3, $0x1;
	s3 =	sadd.s32 s19, s1  }
0x9a: {  	[timem:s5], [sflag:s20] =	dma.local [hbm:s3], s18  }
0x9b: {  	_ =	swait.ge [sflag:s20], s18  }
0x9c: {  	s2 =	ssub.s32 $0x0, s18;
	[sflag:s20] =	ssyncset.done $0x0  }
0x9d: {  	[sflag:s20] =	ssyncadd.s32 s2;
	_ =	sdelay $0x1  }
0x9e: {  	s21 =	simm.s32 $0x1B8B  }
0x9f: {  	_ =	swait.ge [sflag:s21], $0x1  }
0xa0: {  	[sflag:s21] =	ssyncset.done $0x0  }
0xa1: {  	s23 =	simm.s32 $0x1B8E;
	s22 =	sld [smem:$0x3FFE];
	[sflag:s21] =	ssyncadd.s32 $0xFFFFFFFF  }
0xa2: {  	s24 =	simm.s32 $execute0_lowered;
	[smem:$0x3FD2] =	sst s23  }
0xa3: {  	s3 =	sshll.u32 s24, $0x1;
	_ =	strace $0x80000046;
	[dreg:$0x1] =	wrdreg $0xFFFFFFFF  }
0xa4: {  	s25 =	simm.s32 $_size_execute0_lowered;
	s1 =	sadd.s32 s1, s3;
	[dreg:$0x0] =	wrdreg $0x0  }
0xa5: {  	s3 =	sshll.u32 s25, $0x1;
	[dreg:$0x2] =	wrdreg s1  }
0xa6: {  	[dreg:$0x3] =	wrdreg s3  }
0xa7: {  	[dreg:$0x4] =	wrdreg $0xC0  }
0xa8: {  	_ =	task [dreg:s5], $0x5FFFF  }
0xa9: {  	[dreg:$0x1] =	wrdreg $0xFFFFFFFF  }
0xaa: {  	[dreg:$0x0] =	wrdreg $0x60  }
0xab: {  	[dreg:$0x2] =	wrdreg s22  }
0xac: {  	[dreg:$0x3] =	wrdreg s0  }
0xad: {  	[dreg:$0x4] =	wrdreg $0xA  }
0xae: {  	_ =	task.clear_ibuf [dreg:s5], $0x5FFFF;
	_ =	strace $0x90000046  }
0xaf: {  	s26 =	simm.s32 $0xA;
	_ =	strace $0x80000048  }
0xb0: {  	_ =	swait.ge [sflag:s26], $0x1  }
0xb1: {  	[sflag:s26] =	ssyncadd.s32 $0xFFFFFFFF  }
0xb2: {  	_ =	strace $0x90000048  }
0xb3: {  	_ =	sfence  }
0xb4: {  	s28 =	sld [smem:$0x0];
	_ =	sdelay $0x1  }
0xb5: {  	s29 =	srdreg.scid  }
0xb6: {  	s30 =	sshll.u32 s29, $0xD;
	s31 =	sshrl.u32 s29, $0x2  }
0xb7: {  	s2 =	sand.u32 $0x4000, s30;
	s1 =	sand.u32 $0x1, s29;
	s0 =	sadd.s32 s31, s28  }
0xb8: {  	s1 =	sor.u32 s2, s1;
	s0 =	sshll.u32 s0, $0x11  }
0xb9: {  	s0 =	sor.u32 s0, s1  }
0xba: {  	s0 =	sadd.s32 $0x8F2B, s0  }
0xbb: {  	[sflag:s0] =	ssyncadd.remote.s32 $0x1  }
0xbc: {  	_ =	sfence.sel $0xFFFF  }
0xbd: {  	[dreg:$0x0] =	wrdreg $0xFFFFFFFF;
	(pc) =	sbr.abs _section_cstart, $3  }
0xbe: {  	[dreg:$0x1] =	wrdreg $0xFFFFFFFF  }
0xbf: {  	_ =	task.clear_ibuf [dreg:s5], $0x2FFFF;
	_ =	strace $0x9FFFFFFF  }
0xc0: {  	(tm) =	ssettm $0x7FFFFFFF  }
0xc1: {  	_ =	shalt  }
tec
execute0_lowered:
.L_overlay_start_1:
0x0: {  	(tag) =	ssettag $0x1  }
0x1: {  	s0 =	stileid.u32  }
0x2: {  	s3 =	simm.s32 $0x200;
	s7 =	rddreg [dreg:$0x0];
	s10 =	simm.s32 $0x1  }
0x3: {  	s6 =	simm.s32 $0x2;
	s1 =	smin.u32 s0, $0x8;
	p0 =	slt.u32 s0, $0x8  }
0x4: {  	s11 =	simm.s32 $0x4;
	s2 =	sshll.u32 s1, $0x9;
	s3 =	simm.s32 @!p0 $0x0  }
0x5: {  	s12 =	simm.s32 $0xFFFFF800;
	s13 =	simm.s32 $0xFFFFFE00;
	s1 =	sadd.s32 s3, s2  }
0x6: {  	s14 =	simm.s32 $0xFFFFFFFF;
	s18 =	simm.s32 $0x0;
	s4 =	smin.u32 s1, $0xFA0  }
0x7: {  	s15 =	simm.s32 $0x0;
	s17 =	simm.s32 $0x0;
	s9 =	ssub.s32 s4, s2  }
0x8: {  	s5 =	sadd.s32 $0x1F400, s7;
	s3 =	rddreg [dreg:$0x1];
	p0 =	sgt.s32 s9, $0x0  }
0x9: {  	s1 =	rddreg [dreg:$0x2];
	_ =	strace $0x80000047;
	s9 =	simm.s32 @!p0 $0x0  }
.Ltmp0:
0xa: {  	[sflag:s10] =	ssyncpa.u1 $0x0;
	s8 =	sand.u32 $0x1A0, s9;
	(pc) =	sbr.rel .LBB2_1-.Ltmp0, $4  }
0xb: {  	s7 =	sadd.s32 $0x200, s7;
	[sflag:s6] =	ssyncpa.u1 $0x0;
	p0 =	sne.s32 s8, $0x0  }
0xc: {  	s9 =	sshrl.u32 s9, $0x9;
	s8 =	simm.s32 $0x3;
	s10 =	simm.s32 @!p0 $0x0  }
0xd: {  	s16 =	smov.u32 s2;
	[sflag:s8] =	ssyncpa.u1 $0x0;
	s9 =	sadd.s32 s10, s9  }
0xe: {  	v0 =	vlaneseq.u32;
	vm0 =	vmmov $0xffff;
	[sflag:s11] =	ssyncpa.u1 $0x0;
	s11 =	simm.s32 $0x0;
	s10 =	sadd.s32 $0x2, s9  }
.LBB2_7:
0xf: {  	p0 =	slt.u32 s17, $0x3  }
0x10: {  	s18 =	simm.s32 @!p0 $0x4  }
0x11: {  	_ =	swait.ge @!p0 [sflag:s18], $0x80  }
0x12: {  	s19 =	sadd.s32 $0x200, s16;
	[sflag:s18] =	ssyncset.done @!p0 $0x0  }
0x13: {  	s20 =	smov.u32 s2;
	[sflag:s18] =	ssyncadd.s32 @!p0 $0xFFFFFF80;
	p0 =	slt.s32 s19, s4  }
0x14: {  	s20 =	smov.u32 @p0 s19;
	p0 =	sne.s32 s17, s10  }
.Ltmp1:
0x15: {  	_ = 	snop;
	(pc) =	sbr.rel @!p0 .LBB2_8-.Ltmp1, $4  }
0x16: {  	_ = 	snop  }
0x17: {  	s31 =	sadd.s32 $0x1, s17;
	s12 =	sadd.s32 $0x800, s12  }
0x18: {  	s13 =	sadd.s32 $0x200, s13;
	s14 =	sadd.s32 $0x1, s14;
	s18 =	smov.u32 s15  }
0x19: {  	s15 =	smov.u32 s16;
	s17 =	smov.u32 s31;
	s16 =	smov.u32 s20  }
.LBB2_1:
0x1a: {  	p0 =	sge.u32 s17, s9  }
0x1b: {  	s19 =	smulhi.u32 @!p0 $0xAAAAAAAB, s17;
	_ =	sdelay $0x1  }
0x1c: {  	s19 =	sshrl.u32 @!p0 s19, $0x1  }
0x1d: {  	s19 =	smul.u32 @!p0 $0x3, s19;
	_ =	sdelay $0x1  }
0x1e: {  	s31 =	sadd.s32 $0xFFFFFFFF, s17;
	s20 =	sshrl.u32 @!p0 s16, $0x3;
	s19 =	ssub.s32 @!p0 s17, s19  }
0x1f: {  	s21 =	sand.u32 @!p0 $0x7, s16;
	s20 =	sadd.s32 @!p0 s7, s20;
	s19 =	sshll.u32 @!p0 s19, $0x9  }
0x20: {  	[tilespmem:s19], [sflag:$0x2] =	stream.linear.gather @!p0 [hbm4b:s20+s21], $0x200, $0x38;
	[tilespmem:$0xB00] =	vst v63  }
0x21: {  	p0 =	sge.u32 s31, s9  }
.Ltmp2:
0x22: {  	_ = 	snop;
	(pc) =	sbr.rel @p0 .LBB2_5-.Ltmp2, $1  }
0x23: {  	_ =	sdelay $0x3  }
0x24: {  	s19 =	smulhi.u32 $0xAAAAAAAB, s14;
	_ =	sdelay $0x1  }
0x25: {  	s19 =	sshrl.u32 s19, $0x1  }
0x26: {  	s19 =	smul.u32 $0xFFFFE800, s19;
	_ =	sdelay $0x1  }
0x27: {  	_ =	swait.ge [sflag:s6], $0x200;
	s19 =	sshra.s32 s19, $0x2  }
0x28: {  	[sflag:s6] =	ssyncset.done $0x0;
	s20 =	sadd.s32 s19, s13  }
0x29: {  	[sflag:s6] =	ssyncadd.s32 $0xFFFFFE00;
	(ifvalue) =	ssetifvalue $0x7FFFFFFF;
	s19 =	ssub.s32 $0xFA0, s15;
	v1 =	vld.msk [tilespmem:s20+$0x0 ss:$0x1], $0xffff  }
0x2a: {  	p0 =	slt.s32 s19, $0x200  }
0x2b: {  	s19 =	simm.s32 @!p0 $0x200  }
0x2c: {  	p0 =	sgt.s32 s19, $0x0  }
0x2d: {  	s25 =	sadd.s32 $0x10, s20;
	s21 =	sadd.s32 $0xFFFFFFF0, s19;
	s19 =	simm.s32 @!p0 $0x0  }
0x2e: {  	v2 =	vld.msk [tilespmem:s25+$0x0 ss:$0x1], $0xffff;
	p0 =	sgt.s32 s21, $0x0;
	s19 =	smin.u32 s19, $0x10;
	vm1 =	veq.s32 v1, $0x80000000;
	v3 =	vand.u32 $0x3, v1  }
0x2f: {  	s22 =	sadd.s32 $0xFFFFFFF0, s21;
	s21 =	simm.s32 @!p0 $0x0;
	v4 =	vmov s19;
	v3 =	vsel vm1, $0xFFFFFFFF, v3  }
0x30: {  	v1 =	vand.u32 $0x7FFFFC, v1;
	s31 =	smin.u32 s21, $0x10;
	vm2 =	vgt.u32 v4, v0;
	v4 =	vshrl.u32 v3, $0x2  }
0x31: {  	v1 =	vsel vm1, $0xFFFFFFFC, v1;
	v5 =	vmov s31;
	v4 =	vmul.u32 $0x4A3800, v4  }
0x32: {  	v6 =	vand.u32 $0xFFFFFE00, v1;
	vm3 =	vgt.u32 v5, v0;
	vm1 =	vmmov vm2  }
0x33: {  	s19 =	sadd.s32 $0x10, s25;
	v5 =	vand.u32 $0x7FFFFC, v2;
	v1 =	vand.u32 $0x1FC, v1;
	v4 =	vadd.s32 v6, v4  }
0x34: {  	p0 =	sgt.s32 s22, $0x0;
	s21 =	smov.u32 s22;
	vm2 =	veq.s32 v2, $0x80000000;
	v2 =	vand.u32 $0x3, v2;
	v6 =	vld.msk [tilespmem:s19+$0x0 ss:$0x1], $0xffff;
	v1 =	vor.u32 v1, v4  }
0x35: {  	s21 =	simm.s32 @!p0 $0x0;
	v3 =	vand.u32 $0x3, v3;
	v2 =	vsel vm2, $0xFFFFFFFF, v2;
	v1 =	vshrl.u32 v1, $0x2  }
0x36: {  	s23 =	sshrl.u32 s12, $0x2;
	s26 =	sadd.s32 $0xFFFFFFF0, s22;
	s21 =	smin.u32 s21, $0x10;
	v4 =	vsel vm2, $0xFFFFFFFC, v5;
	v5 =	vshrl.u32 v2, $0x2;
	v1 =	vnsel vm1, $0x7FFFFFFF, v1  }
0x37: {  	s24 =	sand.u32 $0x200, s23;
	s23 =	smov.u32 s26;
	[tilespmem:s20+$0x0] =	vst v3;
	v3 =	vmov s21;
	v2 =	vand.u32 $0x3, v2;
	v5 =	vmul.u32 $0x4A3800, v5  }
0x38: {  	s22 =	sadd.s32 $0x600, s24;
	s24 =	simm.s32 $0x30;
	p0 =	sgt.s32 s26, $0x0;
	vm2 =	vmmov vm3;
	v7 =	vand.u32 $0xFFFFFE00, v4;
	v4 =	vand.u32 $0x1FC, v4  }
0x39: {  	s23 =	simm.s32 @!p0 $0x0;
	s20 =	sadd.s32 $0x10, s19;
	(ifvalue) =	ssetifvalue $0x7FFFFFFF;
	vm1 =	vgt.u32 v3, v0;
	v7 =	vadd.s32 v7, v5;
	v3 =	vand.u32 $0x7FFFFC, v6  }
0x3a: {  	s21 =	sadd.s32 $0x10, s22;
	[tilespmem:s25+$0x0] =	vst v2;
	v2 =	vld.msk [tilespmem:s20+$0x0 ss:$0x1], $0xffff;
	(ifvalue) =	ssetifvalue $0x7FFFFFFF;
	s25 =	sadd.s32 $0xFFFFFFF0, s26;
	vm3 =	veq.s32 v6, $0x80000000;
	v5 =	vand.u32 $0x3, v6;
	v4 =	vor.u32 v4, v7  }
.LBB2_3:
0x3b: {  	[tilespmem:s22], [sflag:$0x3] =	stream.indirect_vreg.gather [hbm4b:s5+s11], $0x1, v1, vm0, $0x4038;
	[tilespmem:$0xB00] =	vst v63  }
0x3c: {  	p0 =	sgt.s32 s25, $0x0  }
0x3d: {  	s22 =	smin.u32 s23, $0x10;
	s23 =	smov.u32 s25;
	s24 =	sadd.s32 $0x10, s24  }
0x3e: {  	v5 =	vsel vm3, $0xFFFFFFFF, v5;
	v6 =	vsel vm3, $0xFFFFFFFC, v3;
	v3 =	vshrl.u32 v4, $0x2;
	s23 =	simm.s32 @!p0 $0x0;
	p0 =	slt.u32 s24, $0x1F0  }
.Ltmp3:
0x3f: {  	v4 =	vshrl.u32 v5, $0x2;
	v7 =	vand.u32 $0xFFFFFE00, v6;
	v1 =	vnsel vm2, $0x7FFFFFFF, v3;
	(pc) =	sbr.rel @p0 .LBB2_3-.Ltmp3, $4  }
0x40: {  	v3 =	vmov s22;
	v8 =	vand.u32 $0x3, v5;
	s22 =	smov.u32 s21;
	v4 =	vmul.u32 $0x4A3800, v4  }
0x41: {  	vm2 =	vmmov vm1;
	vm1 =	vgt.u32 v3, v0;
	[tilespmem:s19+$0x0] =	vst v8;
	s19 =	smov.u32 s20;
	s20 =	sadd.s32 $0x10, s20  }
0x42: {  	v6 =	vand.u32 $0x1FC, v6;
	v3 =	vand.u32 $0x7FFFFC, v2;
	v5 =	vmovc v2;
	v4 =	vadd.s32 v7, v4;
	(ifvalue) =	ssetifvalue $0x7FFFFFFF;
	v2 =	vld.msk [tilespmem:s20+$0x0 ss:$0x1], $0xffff  }
0x43: {  	s25 =	sadd.s32 $0xFFFFFFF0, s25;
	s21 =	sadd.s32 $0x10, s21;
	vm3 =	veq.s32 v5, $0x80000000;
	v5 =	vand.u32 $0x3, v5;
	v4 =	vor.u32 v6, v4  }
0x44: {  	_ = 	snop  }
0x45: {  	v5 =	vsel vm3, $0xFFFFFFFF, v5;
	v3 =	vsel vm3, $0xFFFFFFFC, v3  }
0x46: {  	v4 =	vshrl.u32 v4, $0x2;
	s23 =	smin.u32 s23, $0x10;
	vm1 =	vmmov vm1;
	v6 =	vshrl.u32 v5, $0x2  }
0x47: {  	v8 =	vmov s23;
	vm3 =	veq.s32 v2, $0x80000000;
	v7 =	vand.u32 $0x3, v2  }
0x48: {  	v61 =	vand.u32 $0xFFFFFE00, v3;
	v6 =	vmul.u32 $0x4A3800, v6;
	v7 =	vsel vm3, $0xFFFFFFFF, v7  }
0x49: {  	v3 =	vand.u32 $0x1FC, v3;
	v2 =	vand.u32 $0x7FFFFC, v2;
	v9 =	vshrl.u32 v7, $0x2  }
0x4a: {  	v2 =	vsel vm3, $0xFFFFFFFC, v2;
	v6 =	vadd.s32 v61, v6;
	v9 =	vmul.u32 $0x4A3800, v9  }
0x4b: {  	v4 =	vnsel vm2, $0x7FFFFFFF, v4;
	v62 =	vand.u32 $0xFFFFFE00, v2;
	v3 =	vor.u32 v3, v6  }
0x4c: {  	v2 =	vand.u32 $0x1FC, v2;
	v3 =	vshrl.u32 v3, $0x2;
	v63 =	vadd.s32 v62, v9  }
0x4d: {  	vm3 =	vgt.u32 v8, v0;
	v3 =	vnsel vm1, $0x7FFFFFFF, v3;
	v2 =	vor.u32 v2, v63  }
0x4e: {  	[tilespmem:s22], [sflag:$0x3] =	stream.indirect_vreg.gather [hbm4b:s5+s11], $0x1, v1, vm0, $0x4038;
	v5 =	vand.u32 $0x3, v5;
	vm1 =	vmmov vm3;
	v1 =	vshrl.u32 v2, $0x2;
	[tilespmem:$0xB00] =	vst v63  }
0x4f: {  	[tilespmem:s19+$0x0] =	vst v5;
	(ifvalue) =	ssetifvalue $0x7FFFFFFF;
	v1 =	vnsel vm1, $0x7FFFFFFF, v1  }
0x50: {  	[tilespmem:s21], [sflag:$0x3] =	stream.indirect_vreg.gather [hbm4b:s5+s11], $0x1, v4, vm0, $0x4038;
	v2 =	vand.u32 $0x3, v7;
	[tilespmem:$0xB00] =	vst v63  }
0x51: {  	s31 =	sadd.s32 $0x10, s21;
	[tilespmem:s20+$0x0] =	vst v2;
	(ifvalue) =	ssetifvalue $0x7FFFFFFF  }
0x52: {  	[tilespmem:s31], [sflag:$0x3] =	stream.indirect_vreg.gather [hbm4b:s5+s11], $0x1, v3, vm0, $0x4038;
	[tilespmem:$0xB00] =	vst v63  }
0x53: {  	s19 =	sadd.s32 $0x10, s31  }
0x54: {  	[tilespmem:s19], [sflag:$0x3] =	stream.indirect_vreg.gather [hbm4b:s5+s11], $0x1, v1, vm0, $0x4038;
	[tilespmem:$0xB00] =	vst v63  }
.LBB2_5:
0x55: {  	p0 =	slt.u32 s17, $0x2  }
0x56: {  	p1 =	sge.u32 @!p0 s17, s10  }
0x57: {  	p0 =	por p0, p1  }
.Ltmp4:
0x58: {  	_ = 	snop;
	(pc) =	sbr.rel @p0 .LBB2_7-.Ltmp4, $1  }
0x59: {  	_ =	sdelay $0x3  }
0x5a: {  	s19 =	sadd.s32 $0xFFFFFFFE, s17  }
0x5b: {  	s20 =	smulhi.u32 $0xAAAAAAAB, s19  }
0x5c: {  	_ =	swait.ge [sflag:s8], $0x200  }
0x5d: {  	s21 =	sand.u32 $0x1, s17;
	[sflag:s8] =	ssyncset.done $0x0;
	s20 =	sshrl.u32 s20, $0x1  }
0x5e: {  	s28 =	sshll.u32 s21, $0x9;
	[sflag:s8] =	ssyncadd.s32 $0xFFFFFE00;
	s20 =	smul.u32 $0x3, s20  }
0x5f: {  	v1 =	vld [tilespmem:s28+$0x600]  }
0x60: {  	v3 =	vld [tilespmem:s28+$0x680];
	s20 =	ssub.s32 s19, s20  }
0x61: {  	v6 =	vld [tilespmem:s28+$0x700];
	s20 =	sshll.u32 s20, $0x9  }
0x62: {  	v2 =	vld [tilespmem:s20+$0x0]  }
0x63: {  	v4 =	vld [tilespmem:s20+$0x80]  }
0x64: {  	v5 =	vld [tilespmem:s20+$0x100]  }
0x65: {  	v7 =	vld [tilespmem:s20+$0x180];
	_ =	sdelay $0x1  }
0x66: {  	v8 =	vld [tilespmem:s28+$0x780]  }
0x67: {  	v2 =	vshll.u32 v2, $0x3;
	v4 =	vshll.u32 v4, $0x3  }
0x68: {  	v1 =	vshrl.u32 v1, v2;
	v2 =	vshrl.u32 v3, v4;
	v3 =	vshll.u32 v5, $0x3  }
0x69: {  	v21 =	vshll.u32 v7, $0x3;
	v2 =	vshll.u32 v2, $0x8;
	v3 =	vshrl.u32 v6, v3  }
0x6a: {  	v1 =	vand.u32 $0xFF, v1;
	v2 =	vand.u32 $0xFF00, v2;
	v3 =	vshll.u32 v3, $0x10  }
0x6b: {  	v1 =	vor.u32 v1, v2;
	v2 =	vand.u32 $0xFF0000, v3;
	v3 =	vshrl.u32 v8, v21  }
0x6c: {  	v1 =	vor.u32 v2, v1;
	v2 =	vshll.u32 v3, $0x18  }
0x6d: {  	s21 =	sshll.u32 s21, $0x7;
	v1 =	vor.u32 v2, v1  }
0x6e: {  	[tilespmem:s21+$0xA00] =	vst v1  }
0x6f: {  	v1 =	vld [tilespmem:s28+$0x610]  }
0x70: {  	v2 =	vld [tilespmem:s20+$0x10]  }
0x71: {  	v3 =	vld [tilespmem:s28+$0x690]  }
0x72: {  	v22 =	vld [tilespmem:s20+$0x90]  }
0x73: {  	v23 =	vld [tilespmem:s20+$0x110]  }
0x74: {  	v24 =	vld [tilespmem:s28+$0x710]  }
0x75: {  	v25 =	vld [tilespmem:s20+$0x190];
	_ =	sdelay $0x1  }
0x76: {  	v26 =	vld [tilespmem:s28+$0x790]  }
0x77: {  	v2 =	vshll.u32 v2, $0x3;
	v4 =	vshll.u32 v22, $0x3  }
0x78: {  	v1 =	vshrl.u32 v1, v2;
	v2 =	vshrl.u32 v3, v4;
	v3 =	vshll.u32 v23, $0x3  }
0x79: {  	v27 =	vshll.u32 v25, $0x3;
	v2 =	vshll.u32 v2, $0x8;
	v3 =	vshrl.u32 v24, v3  }
0x7a: {  	v1 =	vand.u32 $0xFF, v1;
	v2 =	vand.u32 $0xFF00, v2;
	v3 =	vshll.u32 v3, $0x10  }
0x7b: {  	v1 =	vor.u32 v1, v2;
	v2 =	vand.u32 $0xFF0000, v3;
	v3 =	vshrl.u32 v26, v27  }
0x7c: {  	v1 =	vor.u32 v2, v1;
	v2 =	vshll.u32 v3, $0x18  }
0x7d: {  	v1 =	vor.u32 v2, v1  }
0x7e: {  	[tilespmem:s21+$0xA10] =	vst v1  }
0x7f: {  	v1 =	vld [tilespmem:s28+$0x620]  }
0x80: {  	v2 =	vld [tilespmem:s20+$0x20]  }
0x81: {  	v3 =	vld [tilespmem:s28+$0x6A0]  }
0x82: {  	v28 =	vld [tilespmem:s20+$0xA0]  }
0x83: {  	v29 =	vld [tilespmem:s20+$0x120]  }
0x84: {  	v30 =	vld [tilespmem:s28+$0x720]  }
0x85: {  	v31 =	vld [tilespmem:s20+$0x1A0];
	_ =	sdelay $0x1  }
0x86: {  	v32 =	vld [tilespmem:s28+$0x7A0]  }
0x87: {  	v2 =	vshll.u32 v2, $0x3;
	v4 =	vshll.u32 v28, $0x3  }
0x88: {  	v1 =	vshrl.u32 v1, v2;
	v2 =	vshrl.u32 v3, v4;
	v3 =	vshll.u32 v29, $0x3  }
0x89: {  	v33 =	vshll.u32 v31, $0x3;
	v2 =	vshll.u32 v2, $0x8;
	v3 =	vshrl.u32 v30, v3  }
0x8a: {  	v1 =	vand.u32 $0xFF, v1;
	v2 =	vand.u32 $0xFF00, v2;
	v3 =	vshll.u32 v3, $0x10  }
0x8b: {  	v1 =	vor.u32 v1, v2;
	v2 =	vand.u32 $0xFF0000, v3;
	v3 =	vshrl.u32 v32, v33  }
0x8c: {  	v1 =	vor.u32 v2, v1;
	v2 =	vshll.u32 v3, $0x18  }
0x8d: {  	v1 =	vor.u32 v2, v1  }
0x8e: {  	[tilespmem:s21+$0xA20] =	vst v1  }
0x8f: {  	v1 =	vld [tilespmem:s28+$0x630]  }
0x90: {  	v2 =	vld [tilespmem:s20+$0x30]  }
0x91: {  	v3 =	vld [tilespmem:s28+$0x6B0]  }
0x92: {  	v34 =	vld [tilespmem:s20+$0xB0]  }
0x93: {  	v35 =	vld [tilespmem:s20+$0x130]  }
0x94: {  	v36 =	vld [tilespmem:s28+$0x730]  }
0x95: {  	v37 =	vld [tilespmem:s20+$0x1B0];
	_ =	sdelay $0x1  }
0x96: {  	v38 =	vld [tilespmem:s28+$0x7B0]  }
0x97: {  	v2 =	vshll.u32 v2, $0x3;
	v4 =	vshll.u32 v34, $0x3  }
0x98: {  	v1 =	vshrl.u32 v1, v2;
	v2 =	vshrl.u32 v3, v4;
	v3 =	vshll.u32 v35, $0x3  }
0x99: {  	v39 =	vshll.u32 v37, $0x3;
	v2 =	vshll.u32 v2, $0x8;
	v3 =	vshrl.u32 v36, v3  }
0x9a: {  	v1 =	vand.u32 $0xFF, v1;
	v2 =	vand.u32 $0xFF00, v2;
	v3 =	vshll.u32 v3, $0x10  }
0x9b: {  	v1 =	vor.u32 v1, v2;
	v2 =	vand.u32 $0xFF0000, v3;
	v3 =	vshrl.u32 v38, v39  }
0x9c: {  	v1 =	vor.u32 v2, v1;
	v2 =	vshll.u32 v3, $0x18  }
0x9d: {  	v1 =	vor.u32 v2, v1  }
0x9e: {  	[tilespmem:s21+$0xA30] =	vst v1  }
0x9f: {  	v1 =	vld [tilespmem:s28+$0x640]  }
0xa0: {  	v2 =	vld [tilespmem:s20+$0x40]  }
0xa1: {  	v3 =	vld [tilespmem:s28+$0x6C0]  }
0xa2: {  	v40 =	vld [tilespmem:s20+$0xC0]  }
0xa3: {  	v41 =	vld [tilespmem:s20+$0x140]  }
0xa4: {  	v42 =	vld [tilespmem:s28+$0x740]  }
0xa5: {  	v43 =	vld [tilespmem:s20+$0x1C0];
	_ =	sdelay $0x1  }
0xa6: {  	v44 =	vld [tilespmem:s28+$0x7C0]  }
0xa7: {  	v2 =	vshll.u32 v2, $0x3;
	v4 =	vshll.u32 v40, $0x3  }
0xa8: {  	v1 =	vshrl.u32 v1, v2;
	v2 =	vshrl.u32 v3, v4;
	v3 =	vshll.u32 v41, $0x3  }
0xa9: {  	v45 =	vshll.u32 v43, $0x3;
	v2 =	vshll.u32 v2, $0x8;
	v3 =	vshrl.u32 v42, v3  }
0xaa: {  	v1 =	vand.u32 $0xFF, v1;
	v2 =	vand.u32 $0xFF00, v2;
	v3 =	vshll.u32 v3, $0x10  }
0xab: {  	v1 =	vor.u32 v1, v2;
	v2 =	vand.u32 $0xFF0000, v3;
	v3 =	vshrl.u32 v44, v45  }
0xac: {  	v1 =	vor.u32 v2, v1;
	v2 =	vshll.u32 v3, $0x18  }
0xad: {  	v1 =	vor.u32 v2, v1  }
0xae: {  	[tilespmem:s21+$0xA40] =	vst v1  }
0xaf: {  	v1 =	vld [tilespmem:s28+$0x650]  }
0xb0: {  	v2 =	vld [tilespmem:s20+$0x50]  }
0xb1: {  	v3 =	vld [tilespmem:s28+$0x6D0]  }
0xb2: {  	v46 =	vld [tilespmem:s20+$0xD0]  }
0xb3: {  	v47 =	vld [tilespmem:s20+$0x150]  }
0xb4: {  	v48 =	vld [tilespmem:s28+$0x750]  }
0xb5: {  	v49 =	vld [tilespmem:s20+$0x1D0];
	_ =	sdelay $0x1  }
0xb6: {  	v50 =	vld [tilespmem:s28+$0x7D0]  }
0xb7: {  	v2 =	vshll.u32 v2, $0x3;
	v4 =	vshll.u32 v46, $0x3  }
0xb8: {  	v1 =	vshrl.u32 v1, v2;
	v2 =	vshrl.u32 v3, v4;
	v3 =	vshll.u32 v47, $0x3  }
0xb9: {  	v51 =	vshll.u32 v49, $0x3;
	v2 =	vshll.u32 v2, $0x8;
	v3 =	vshrl.u32 v48, v3  }
0xba: {  	v1 =	vand.u32 $0xFF, v1;
	v2 =	vand.u32 $0xFF00, v2;
	v3 =	vshll.u32 v3, $0x10  }
0xbb: {  	v1 =	vor.u32 v1, v2;
	v2 =	vand.u32 $0xFF0000, v3;
	v3 =	vshrl.u32 v50, v51  }
0xbc: {  	v1 =	vor.u32 v2, v1;
	v2 =	vshll.u32 v3, $0x18  }
0xbd: {  	v1 =	vor.u32 v2, v1  }
0xbe: {  	[tilespmem:s21+$0xA50] =	vst v1  }
0xbf: {  	v1 =	vld [tilespmem:s28+$0x660]  }
0xc0: {  	v2 =	vld [tilespmem:s20+$0x60]  }
0xc1: {  	v3 =	vld [tilespmem:s28+$0x6E0]  }
0xc2: {  	v52 =	vld [tilespmem:s20+$0xE0]  }
0xc3: {  	v53 =	vld [tilespmem:s20+$0x160]  }
0xc4: {  	v54 =	vld [tilespmem:s28+$0x760]  }
0xc5: {  	v55 =	vld [tilespmem:s20+$0x1E0];
	_ =	sdelay $0x1  }
0xc6: {  	v56 =	vld [tilespmem:s28+$0x7E0]  }
0xc7: {  	v2 =	vshll.u32 v2, $0x3;
	v4 =	vshll.u32 v52, $0x3  }
0xc8: {  	v1 =	vshrl.u32 v1, v2;
	v2 =	vshrl.u32 v3, v4;
	v3 =	vshll.u32 v53, $0x3  }
0xc9: {  	v57 =	vshll.u32 v55, $0x3;
	v2 =	vshll.u32 v2, $0x8;
	v3 =	vshrl.u32 v54, v3  }
0xca: {  	v1 =	vand.u32 $0xFF, v1;
	v2 =	vand.u32 $0xFF00, v2;
	v3 =	vshll.u32 v3, $0x10  }
0xcb: {  	v1 =	vor.u32 v1, v2;
	v2 =	vand.u32 $0xFF0000, v3;
	v3 =	vshrl.u32 v56, v57  }
0xcc: {  	v1 =	vor.u32 v2, v1;
	v2 =	vshll.u32 v3, $0x18  }
0xcd: {  	v1 =	vor.u32 v2, v1  }
0xce: {  	[tilespmem:s21+$0xA60] =	vst v1  }
0xcf: {  	v1 =	vld [tilespmem:s28+$0x670]  }
0xd0: {  	v2 =	vld [tilespmem:s20+$0x70]  }
0xd1: {  	v3 =	vld [tilespmem:s28+$0x6F0]  }
0xd2: {  	v58 =	vld [tilespmem:s20+$0xF0]  }
0xd3: {  	v59 =	vld [tilespmem:s20+$0x170]  }
0xd4: {  	v60 =	vld [tilespmem:s28+$0x770]  }
0xd5: {  	v61 =	vld [tilespmem:s20+$0x1F0];
	_ =	sdelay $0x1  }
0xd6: {  	v62 =	vld [tilespmem:s28+$0x7F0]  }
0xd7: {  	v2 =	vshll.u32 v2, $0x3;
	v4 =	vshll.u32 v58, $0x3  }
0xd8: {  	v1 =	vshrl.u32 v1, v2;
	v2 =	vshrl.u32 v3, v4;
	v3 =	vshll.u32 v59, $0x3  }
0xd9: {  	v63 =	vshll.u32 v61, $0x3;
	v3 =	vshrl.u32 v60, v3;
	v2 =	vshll.u32 v2, $0x8  }
0xda: {  	v1 =	vand.u32 $0xFF, v1;
	v2 =	vand.u32 $0xFF00, v2;
	v3 =	vshll.u32 v3, $0x10  }
.Ltmp5:
0xdb: {  	v1 =	vor.u32 v1, v2;
	v2 =	vshrl.u32 v62, v63;
	v3 =	vand.u32 $0xFF0000, v3;
	(pc) =	sbr.rel .LBB2_7-.Ltmp5, $4  }
0xdc: {  	v1 =	vor.u32 v3, v1;
	v2 =	vshll.u32 v2, $0x18  }
0xdd: {  	s29 =	sshrl.u32 s18, $0x2;
	s30 =	sshrl.u32 s18, $0x5;
	v1 =	vor.u32 v2, v1  }
0xde: {  	s18 =	sadd.s32 s30, s3;
	s31 =	sor.u32 $0xA00, s21;
	s19 =	sand.u32 $0x7, s29;
	[tilespmem:s21+$0xA70] =	vst v1  }
0xdf: {  	[hbm4b:s18+s19] =	stream.linear.scatter [tilespmem:s31], [sflag:$0x4], $0x80, $0x38;
	[tilespmem:$0xB00] =	vst v63  }
.LBB2_8:
0xe0: {  	_ =	sfence.sel $0x180000  }
0xe1: {  	s2 =	simm.s32 $0x2;
	[bflag:$0x0] =	sbarrier.arrive $0xFFFF  }
0xe2: {  	s29 =	simm.s32 $0x3;
	[sflag:s2] =	ssyncpa.u1 $0x1  }
0xe3: {  	s30 =	simm.s32 $0x4;
	[sflag:s29] =	ssyncpa.u1 $0x1  }
0xe4: {  	s31 =	simm.s32 $0x1;
	[sflag:s30] =	ssyncpa.u1 $0x1  }
0xe5: {  	[sflag:s31] =	ssyncpa.u1 $0x1  }
0xe6: {  	p0 =	sne.s32 s0, $0x0;
	_ =	strace $0x90000047  }
0xe7: {  	s0 =	sadd.s32 @!p0 $0x100000, s1;
	[bflag:$0x2] =	sbarrier.arrive $0xFFFF  }
0xe8: {  	[sflag:s0] =	ssyncadd.tile.s32 @!p0 $0x1;
	_ =	shalt  }
.Lfunc_end2:
_tile_overlayer_lowered:
.L_overlay_start_2:
0xe9: {  	(tag) =	ssettag $0x2  }
0xea: {  	s0 =	rddreg [dreg:$0x0];
	s2 =	stileid.u32  }
0xeb: {  	s1 =	rddreg [dreg:$0x1];
	p0 =	sne.s32 s2, $0x0  }
0xec: {  	s3 =	rddreg [dreg:$0x2];
	[bflag:$0x3] =	sbarrier.arrive $0xFFFF;
	s2 =	simm.s32 @!p0 $0x1C01  }
0xed: {  	[timem:s3], [sflag:s2] =	dma.local @!p0 [hbm:s0], s1  }
0xee: {  	s0 =	simm.s32 @!p0 $0x1  }
0xef: {  	_ =	swait.ge @!p0 [sflag:s0], s1  }
0xf0: {  	s1 =	ssub.s32 @!p0 $0x0, s1;
	[sflag:s0] =	ssyncset.done @!p0 $0x0  }
0xf1: {  	[sflag:s0] =	ssyncadd.s32 @!p0 s1  }
0xf2: {  	[bflag:$0x3] =	sbarrier.arrive $0xFFFF  }
0xf3: {  	_ =	shalt  }

// kernel: gather_offload_async_start
scs
__scs_entry_jumppad:
0x0: {  	(pc) =	sbr.rel $0x88, $3  }
0x1: {  	(tag) =	ssettag $0x0;
	lr =	simm.s32 $0x1  }
0x2: {  	[smem:$0x3F9C] =	sst lr;
	_ =	strace $0xD0000000  }
0x3: {  	_ = 	snop  }
0x4: {  	_ = 	snop  }
0x5: {  	_ = 	snop  }
0x6: {  	_ = 	snop  }
0x7: {  	_ = 	snop  }
__scs_overlays_trampoline_lowered:
0x8: {  	[smem:$0x3FAB] =	sst s0  }
0x9: {  	[smem:$0x3FAC] =	sst s1  }
0xa: {  	[smem:$0x3FAD] =	sst s2  }
0xb: {  	[smem:$0x3FAE] =	sst s3  }
0xc: {  	[smem:$0x3FAF] =	sst s4  }
0xd: {  	[smem:$0x3FB0] =	sst s5  }
0xe: {  	[smem:$0x3FB1] =	sst s6  }
0xf: {  	[smem:$0x3FB2] =	sst s7  }
0x10: {  	[smem:$0x3FB3] =	sst s8  }
0x11: {  	[smem:$0x3FB4] =	sst s9;
	s0 =	simm.s32 @!p0 $0x0  }
0x12: {  	s1 =	sld [smem:$0x3F9A];
	s0 =	simm.s32 @p0 $0x1  }
0x13: {  	[smem:$0x3FB5] =	sst s0;
	s0 =	simm.s32 @!p1 $0x0  }
0x14: {  	s2 =	sld [smem:$0x3F99];
	s0 =	simm.s32 @p1 $0x1  }
0x15: {  	[smem:$0x3FB6] =	sst s0;
	s0 =	simm.s32 @!p2 $0x0  }
0x16: {  	s3 =	sld [smem:$0x3FDB];
	s0 =	simm.s32 @p2 $0x1  }
0x17: {  	s4 =	simm.s32 $0x1BF5;
	[smem:$0x3FB8] =	sst s0  }
0x18: {  	s0 =	sld [smem:$0x3F9B];
	_ =	swait.ge [sflag:s4], $0x0  }
0x19: {  	s7 =	sld [smem:$0x3F9C]  }
0x1a: {  	s8 =	sadd.s32 $0xFFFFE003, lr  }
0x1b: {  	s9 =	sadd.s32 $0xFFFFFEF7, lr;
	s5 =	simm.s32 $0xFFFFFFFF;
	p2 =	slt.u32 s8, $0xFFFFF086  }
0x1c: {  	p1 =	slt.u32 s9, $0xF7A;
	s5 =	simm.s32 @!p2 $0x0  }
0x1d: {  	s5 =	simm.s32 @p1 $0x1;
	p0 =	seq.s32 s7, s2  }
0x1e: {  	s7 =	smul.u32 @!p0 $0xF7A, s2;
	p2 =	seq.s32 @!p0 s5, $0x0  }
0x1f: {  	s9 =	smul.u32 $0xF7A, s1;
	s8 =	simm.s32 @!p0 $0x1BF5;
	p2 =	por !p2, p0  }
0x20: {  	[sflag:s8] =	ssyncset.s32 @!p0 $0xFFFFF086;
	s6 =	sadd.s32 @!p0 s3, s7;
	s7 =	simm.s32 @!p0 $0x108  }
0x21: {  	s3 =	sadd.s32 s3, s9;
	s6 =	sadd.s32 @!p0 $0x88, s6;
	s7 =	simm.s32 @p2 $0x1082  }
0x22: {  	[simem:s7], [sflag:s8] =	dma.local @!p0 [hbm:s6], $0xF7A  }
0x23: {  	s9 =	sor.u32 $0xD0000000, s2;
	s6 =	simm.s32 $0x108;
	_ =	swait.ge @!p0 [sflag:s8], $0x0  }
0x24: {  	s3 =	sadd.s32 $0x88, s3;
	s6 =	simm.s32 @!p1 $0x1082;
	[sflag:s4] =	ssyncset.s32 $0xFFFFF086  }
0x25: {  	[simem:s6], [sflag:s4] =	dma.local [hbm:s3], $0xF7A  }
0x26: {  	[smem:$0x3F9C] =	sst s1;
	(tag) =	ssettag s2;
	_ =	strace s9  }
0x27: {  	s1 =	sld [smem:$0x3FAC]  }
0x28: {  	s2 =	sld [smem:$0x3FAD]  }
0x29: {  	s4 =	sld [smem:$0x3FAF]  }
0x2a: {  	p0 =	seq.s32 s5, $0x0;
	s5 =	sld [smem:$0x3FB0]  }
0x2b: {  	s6 =	sld [smem:$0x3FB1]  }
0x2c: {  	s7 =	sld [smem:$0x3FB2]  }
0x2d: {  	s3 =	simm.s32 $0x108;
	s8 =	sld [smem:$0x3FB3]  }
0x2e: {  	s3 =	simm.s32 @!p0 $0x1082;
	s9 =	sld [smem:$0x3FB4]  }
0x2f: {  	lr =	sadd.s32 s0, s3;
	s0 =	sld [smem:$0x3FAB]  }
0x30: {  	s3 =	sld [smem:$0x3FAE]  }
0x31: {  	[smem:$0x3FB7] =	sst s10  }
0x32: {  	s10 =	sld [smem:$0x3FB5];
	_ =	sdelay $0x3  }
0x33: {  	p0 =	seq.s32 s10, $0x1;
	s10 =	sld [smem:$0x3FB7];
	_ =	sdelay $0x3  }
0x34: {  	[smem:$0x3FB7] =	sst s10  }
0x35: {  	s10 =	sld [smem:$0x3FB6];
	_ =	sdelay $0x3  }
0x36: {  	p1 =	seq.s32 s10, $0x1;
	s10 =	sld [smem:$0x3FB7];
	_ =	sdelay $0x3  }
0x37: {  	[smem:$0x3FB7] =	sst s10  }
0x38: {  	s10 =	sld [smem:$0x3FB8]  }
0x39: {  	_ = 	snop;
	(pc) =	sbr.ind lr, $3  }
0x3a: {  	_ = 	snop  }
0x3b: {  	_ = 	snop  }
0x3c: {  	p2 =	seq.s32 s10, $0x1;
	s10 =	sld [smem:$0x3FB7]  }
0x3d: {  	_ =	shalt  }
0x3e: {  	_ =	shalt  }
0x3f: {  	_ =	shalt  }
0x40: {  	_ =	shalt  }
0x41: {  	_ =	shalt  }
0x42: {  	_ =	shalt  }
0x43: {  	_ =	shalt  }
0x44: {  	_ =	shalt  }
0x45: {  	_ =	shalt  }
0x46: {  	_ =	shalt  }
0x47: {  	_ =	shalt  }
0x48: {  	_ =	shalt  }
0x49: {  	_ =	shalt  }
0x4a: {  	_ =	shalt  }
0x4b: {  	_ =	shalt  }
0x4c: {  	_ =	shalt  }
0x4d: {  	_ =	shalt  }
0x4e: {  	_ =	shalt  }
0x4f: {  	_ =	shalt  }
0x50: {  	_ =	shalt  }
0x51: {  	_ =	shalt  }
0x52: {  	_ =	shalt  }
0x53: {  	_ =	shalt  }
0x54: {  	_ =	shalt  }
0x55: {  	_ =	shalt  }
0x56: {  	_ =	shalt  }
0x57: {  	_ =	shalt  }
0x58: {  	_ =	shalt  }
0x59: {  	_ =	shalt  }
0x5a: {  	_ =	shalt  }
0x5b: {  	_ =	shalt  }
0x5c: {  	_ =	shalt  }
0x5d: {  	_ =	shalt  }
0x5e: {  	_ =	shalt  }
0x5f: {  	_ =	shalt  }
0x60: {  	_ =	shalt  }
0x61: {  	_ =	shalt  }
0x62: {  	_ =	shalt  }
0x63: {  	_ =	shalt  }
0x64: {  	_ =	shalt  }
0x65: {  	_ =	shalt  }
0x66: {  	_ =	shalt  }
0x67: {  	_ =	shalt  }
0x68: {  	_ =	shalt  }
0x69: {  	_ =	shalt  }
0x6a: {  	_ =	shalt  }
0x6b: {  	_ =	shalt  }
0x6c: {  	_ =	shalt  }
0x6d: {  	_ =	shalt  }
0x6e: {  	_ =	shalt  }
0x6f: {  	_ =	shalt  }
0x70: {  	_ =	shalt  }
0x71: {  	_ =	shalt  }
0x72: {  	_ =	shalt  }
0x73: {  	_ =	shalt  }
0x74: {  	_ =	shalt  }
0x75: {  	_ =	shalt  }
0x76: {  	_ =	shalt  }
0x77: {  	_ =	shalt  }
0x78: {  	_ =	shalt  }
0x79: {  	_ =	shalt  }
0x7a: {  	_ =	shalt  }
0x7b: {  	_ =	shalt  }
0x7c: {  	_ =	shalt  }
0x7d: {  	_ =	shalt  }
0x7e: {  	_ =	shalt  }
0x7f: {  	_ =	shalt  }
0x80: {  	_ =	shalt  }
0x81: {  	_ =	shalt  }
0x82: {  	_ =	shalt  }
0x83: {  	_ =	shalt  }
0x84: {  	_ =	shalt  }
0x85: {  	_ =	shalt  }
0x86: {  	_ =	shalt  }
0x87: {  	_ =	shalt  }
.Lfunc_end0:
.L_simem_size_0:
called_computation_lowered:
.L_overlay_start_0:
0x88: {  	s2 =	sld [smem:$0x3FD9]  }
0x89: {  	s3 =	sld [smem:$0x3FFE];
	_ =	sdelay $0x1  }
0x8a: {  	s1 =	srdreg.scid  }
0x8b: {  	s0 =	sand.u32 $0x1, s1  }
0x8c: {  	s17 =	sshll.u32 s0, $0xA;
	s2 =	sadd.s32 s3, s2  }
0x8d: {  	s2 =	sadd.s32 s2, s17  }
0x8e: {  	[smem:$0x3FC3] =	sst s2  }
0x8f: {  	_ = 	snop  }
0x90: {  	(tm) =	ssettm $0x1  }
0x91: {  	s18 =	sld [smem:$0x3FFB];
	_ =	sdelay $0x3  }
0x92: {  	_ =	strace s18  }
0x93: {  	s2 =	sld [smem:$0x3FFC];
	_ =	sdelay $0x3  }
0x94: {  	_ =	strace s2  }
0x95: {  	s2 =	sld [smem:$0x3FFD];
	_ =	sdelay $0x3  }
0x96: {  	_ =	strace s2  }
0x97: {  	_ =	strace $0x8FFFFFFF  }
0x98: {  	s19 =	sld [smem:$0x3FDB];
	_ =	sdelay $0x1  }
0x99: {  	s20 =	simm.s32 $_scs_section_size  }
0x9a: {  	s4 =	simm.s32 $_size__tile_overlayer_lowered;
	s5 =	simm.s32 $_tile_overlayer_lowered  }
0x9b: {  	s6 =	simm.s32 $0x1BFF;
	s21 =	sshll.u32 s5, $0x1;
	s3 =	sadd.s32 s20, s19  }
0x9c: {  	s22 =	simm.s32 $0x0;
	s4 =	sshll.u32 s4, $0x1;
	s5 =	sadd.s32 s21, s3  }
0x9d: {  	[timem:s22], [sflag:s6] =	dma.local [hbm:s5], s4  }
0x9e: {  	_ =	swait.ge [sflag:s6], s4  }
0x9f: {  	s4 =	ssub.s32 $0x0, s4;
	[sflag:s6] =	ssyncset.done $0x0  }
0xa0: {  	[sflag:s6] =	ssyncadd.s32 s4;
	_ =	sdelay $0x1  }
0xa1: {  	s23 =	simm.s32 $0x1B8B  }
0xa2: {  	_ =	swait.ge [sflag:s23], $0x1  }
0xa3: {  	[sflag:s23] =	ssyncset.done $0x0  }
0xa4: {  	[sflag:s23] =	ssyncadd.s32 $0xFFFFFFFF  }
0xa5: {  	s4 =	sld [smem:$0x0]  }
0xa6: {  	s5 =	sand.u32 $0xFFFFFFFE, s1  }
0xa7: {  	p0 =	sne.s32 s1, s5  }
0xa8: {  	s5 =	sshll.u32 @p0 s5, $0xE  }
0xa9: {  	s5 =	sadd.s32 @p0 $0x11B8D, s5;
	s6 =	sshll.u32 @p0 s4, $0x11  }
0xaa: {  	s5 =	sor.u32 @p0 s6, s5  }
0xab: {  	[sflag:s5] =	ssyncadd.remote.s32 @p0 $0x1;
	_ =	sdelay $0x1  }
0xac: {  	s5 =	simm.s32 @p0 $0x1B8D  }
0xad: {  	_ =	swait.eq @p0 [sflag:s5], $0x1  }
0xae: {  	[sflag:s5] =	ssyncadd.s32 @p0 $0xFFFFFFFF  }
0xaf: {  	s6 =	sshll.u32 @!p0 s1, $0xE  }
0xb0: {  	s6 =	sor.u32 @!p0 $0x4000, s6;
	s5 =	simm.s32 @!p0 $0x1B8D  }
0xb1: {  	s4 =	sshll.u32 @!p0 s4, $0x11;
	s6 =	sadd.s32 @!p0 $0x11B8D, s6;
	_ =	swait.eq @!p0 [sflag:s5], $0x1  }
0xb2: {  	s4 =	sor.u32 @!p0 s4, s6;
	[sflag:s5] =	ssyncadd.s32 @!p0 $0xFFFFFFFF  }
0xb3: {  	s25 =	simm.s32 $0x1B8E;
	s24 =	sld [smem:$0x3FFE];
	[sflag:s4] =	ssyncadd.remote.s32 @!p0 $0x1  }
0xb4: {  	s26 =	simm.s32 $execute0_lowered;
	[smem:$0x3FD2] =	sst s25  }
0xb5: {  	s5 =	sshll.u32 s26, $0x1;
	_ =	strace $0x80000049;
	[dreg:$0x1] =	wrdreg $0xFFFFFFFF  }
0xb6: {  	s28 =	simm.s32 $_size_execute0_lowered;
	s3 =	sadd.s32 s3, s5;
	[dreg:$0x0] =	wrdreg $0x0  }
0xb7: {  	s5 =	sshll.u32 s28, $0x1;
	[dreg:$0x2] =	wrdreg s3  }
0xb8: {  	[dreg:$0x3] =	wrdreg s5  }
0xb9: {  	[dreg:$0x4] =	wrdreg $0xC0  }
0xba: {  	_ =	task [dreg:s22], $0x5FFFF  }
0xbb: {  	[dreg:$0x1] =	wrdreg $0xFFFFFFFF  }
0xbc: {  	[dreg:$0x0] =	wrdreg $0x60  }
0xbd: {  	[dreg:$0x2] =	wrdreg s24  }
0xbe: {  	[dreg:$0x3] =	wrdreg $0x9  }
0xbf: {  	_ =	task.clear_ibuf [dreg:s22], $0x4FFFF;
	_ =	strace $0x90000049  }
0xc0: {  	s29 =	simm.s32 $0x9;
	_ =	strace $0x8000004B  }
0xc1: {  	_ =	swait.ge [sflag:s29], $0x1  }
0xc2: {  	[sflag:s29] =	ssyncadd.s32 $0xFFFFFFFF  }
0xc3: {  	_ =	strace $0x9000004B  }
0xc4: {  	_ =	sfence  }
0xc5: {  	s30 =	sld [smem:$0x0];
	_ =	sdelay $0x2  }
0xc6: {  	s31 =	sshll.u32 s1, $0xD;
	s1 =	sshrl.u32 s1, $0x2  }
0xc7: {  	s4 =	sand.u32 $0x4000, s31;
	s1 =	sadd.s32 s1, s30  }
0xc8: {  	s0 =	sor.u32 s4, s0;
	s1 =	sshll.u32 s1, $0x11  }
0xc9: {  	s0 =	sor.u32 s1, s0  }
0xca: {  	s0 =	sadd.s32 $0x8F2B, s0  }
0xcb: {  	[sflag:s0] =	ssyncadd.remote.s32 $0x1  }
0xcc: {  	_ =	sfence.sel $0xFFFF  }
0xcd: {  	[dreg:$0x0] =	wrdreg $0xFFFFFFFF;
	(pc) =	sbr.abs _section_cstart, $3  }
0xce: {  	[dreg:$0x1] =	wrdreg $0xFFFFFFFF  }
0xcf: {  	_ =	task.clear_ibuf [dreg:s22], $0x2FFFF;
	_ =	strace $0x9FFFFFFF  }
0xd0: {  	(tm) =	ssettm $0x7FFFFFFF  }
0xd1: {  	_ =	shalt  }
tec
execute0_lowered:
.L_overlay_start_1:
0x0: {  	(tag) =	ssettag $0x1  }
0x1: {  	s0 =	srdreg.scid  }
0x2: {  	s1 =	sshll.u32 s0, $0x4  }
0x3: {  	s0 =	stileid.u32;
	s1 =	sand.u32 $0x10, s1  }
0x4: {  	s1 =	sor.u32 s0, s1  }
0x5: {  	s2 =	smin.u32 s1, $0x12  }
0x6: {  	s2 =	sadd.s32 s1, s2  }
0x7: {  	p0 =	slt.u32 s1, $0x12;
	s1 =	simm.s32 $0xA0;
	s2 =	smul.u32 $0x50, s2  }
0x8: {  	s1 =	simm.s32 @!p0 $0x50  }
0x9: {  	s1 =	sadd.s32 s1, s2  }
0xa: {  	s3 =	smin.u32 s1, $0xFA0  }
0xb: {  	s7 =	ssub.s32 s3, s2  }
0xc: {  	p0 =	sgt.s32 s7, $0x0  }
0xd: {  	s7 =	simm.s32 @!p0 $0x0  }
0xe: {  	s31 =	smul.u32 $0xCCCD, s7  }
0xf: {  	s4 =	rddreg [dreg:$0x0];
	s6 =	simm.s32 $0x1  }
0x10: {  	s10 =	simm.s32 $0x3;
	s13 =	simm.s32 $0x0;
	s8 =	sshrl.u32 s31, $0x16  }
0x11: {  	s12 =	simm.s32 $0x0;
	s5 =	sadd.s32 $0x44600, s4;
	s9 =	smul.u32 $0x50, s8  }
.Ltmp0:
0x12: {  	s11 =	smov.u32 s2;
	s1 =	rddreg [dreg:$0x1];
	(pc) =	sbr.rel .LBB2_1-.Ltmp0, $4  }
0x13: {  	_ =	strace $0x8000004A;
	p0 =	sne.s32 s7, s9;
	s9 =	simm.s32 $0x1  }
0x14: {  	[sflag:s6] =	ssyncpa.u1 $0x0;
	s7 =	simm.s32 $0x2;
	s9 =	simm.s32 @!p0 $0x0  }
0x15: {  	[sflag:s7] =	ssyncpa.u1 $0x0;
	p0 =	por $0x0, $0x0;
	s8 =	sadd.s32 s8, s9  }
0x16: {  	vm0 =	vmmov $0xff;
	vm1 =	vcmask $0x3F20;
	s9 =	sadd.s32 $0x7FC00, s4;
	[sflag:s10] =	ssyncpa.u1 $0x0;
	s10 =	sadd.s32 $0x1, s8  }
.LBB2_6:
0x17: {  	[hbm:s17] =	stream.linear.scatter [tilespmem:s14], [sflag:$0x3], $0x400, $0x38;
	[tilespmem:$0x50A0] =	vst v63  }
.LBB2_7:
0x18: {  	s13 =	sadd.s32 $0x50, s11  }
0x19: {  	s15 =	smov.u32 s2;
	p2 =	slt.s32 s13, s3  }
0x1a: {  	s15 =	smov.u32 @p2 s13;
	p2 =	sne.s32 s12, s10  }
.Ltmp1:
0x1b: {  	p1 =	slt.u32 s12, $0x2;
	(pc) =	sbr.rel @!p2 .LBB2_8-.Ltmp1, $4  }
0x1c: {  	s14 =	simm.s32 @!p1 $0x3  }
0x1d: {  	s16 =	sadd.s32 $0x1, s12;
	_ =	swait.ge @!p1 [sflag:s14], $0x2800  }
0x1e: {  	p0 =	por !p0, !p0;
	s13 =	smov.u32 s11;
	[sflag:s14] =	ssyncset.done @!p1 $0x0  }
0x1f: {  	s12 =	smov.u32 s16;
	s11 =	smov.u32 s15;
	[sflag:s14] =	ssyncadd.s32 @!p1 $0xFFFFD800  }
.LBB2_1:
0x20: {  	p1 =	sge.u32 s12, s8  }
0x21: {  	s14 =	sxor.u32 @!p1 $0xFFFFFFFF, s12  }
0x22: {  	s14 =	sand.u32 @!p1 $0x1, s14  }
0x23: {  	s14 =	smul.u32 @!p1 $0x140, s14  }
0x24: {  	s31 =	sadd.s32 $0xFFFFFFFF, s12;
	s15 =	sshrl.u32 @!p1 s11, $0x3  }
0x25: {  	s16 =	sand.u32 @!p1 $0x7, s11;
	s15 =	sadd.s32 @!p1 s4, s15;
	s14 =	sshrl.u32 @!p1 s14, $0x2  }
0x26: {  	[tilespmem:s14], [sflag:$0x2] =	stream.linear.gather @!p1 [hbm4b:s15+s16], $0x50, $0x38;
	[tilespmem:$0x50A0] =	vst v63  }
0x27: {  	p1 =	sge.u32 s31, s8  }
.Ltmp2:
0x28: {  	_ = 	snop;
	(pc) =	sbr.rel @p1 .LBB2_7-.Ltmp2, $1  }
0x29: {  	_ =	sdelay $0x3  }
0x2a: {  	s14 =	simm.s32 $0x1  }
0x2b: {  	s14 =	simm.s32 @!p0 $0x0  }
0x2c: {  	s15 =	smul.u32 $0x140, s14  }
0x2d: {  	_ =	swait.ge [sflag:s7], $0x50  }
0x2e: {  	[sflag:s7] =	ssyncset.done $0x0;
	s16 =	sshrl.u32 s15, $0x2  }
0x2f: {  	[sflag:s7] =	ssyncadd.s32 $0xFFFFFFB0;
	s15 =	sadd.s32 $0x0, s16  }
0x30: {  	v0 =	vld.msk [tilespmem:s15+$0x0 ss:$0x1], $0xffff;
	_ =	sdelay $0x4  }
0x31: {  	vm2 =	vgt.s32 v0, $0x0  }
0x32: {  	v0 =	vnsel vm2, $0x0, v0  }
0x33: {  	v0 =	vmin.u32 v0, $0x3B5F  }
0x34: {  	v0 =	vshll.u32 v0, $0x4  }
0x35: {  	s14 =	smul.u32 $0xA000, s14;
	_ =	sdelay $0x1  }
0x36: {  	s14 =	sshrl.u32 s14, $0x2  }
0x37: {  	s14 =	sor.u32 $0xA0, s14  }
0x38: {  	[tilespmem:s14], [sflag:$0x1] =	stream.indirect_vreg.gather [hbm:s5], $0x80, v0, vm0, $0x38;
	[tilespmem:$0x50A0] =	vst v63  }
0x39: {  	s17 =	sadd.s32 $0x10, s16;
	s15 =	sadd.s32 $0x400, s14  }
0x3a: {  	[tilespmem:s15], [sflag:$0x1] =	stream.indirect_vreg.gather [hbm:s5], $0x80, v0, vm1, $0x38;
	[tilespmem:$0x50A0] =	vst v63  }
0x3b: {  	s18 =	simm.s32 $0x80;
	v0 =	vld.msk [tilespmem:s17+$0x0 ss:$0x1], $0xffff;
	s17 =	smov.u32 s14  }
.LBB2_3:
0x3c: {  	p1 =	sne.s32 s18, $0x100;
	_ =	sdelay $0x4  }
0x3d: {  	vm2 =	vgt.s32 v0, $0x0  }
0x3e: {  	v0 =	vnsel vm2, $0x0, v0  }
0x3f: {  	v0 =	vmin.u32 v0, $0x3B5F  }
0x40: {  	v0 =	vshll.u32 v0, $0x4;
	_ =	sdelay $0x3  }
.Ltmp3:
0x41: {  	s19 =	sshra.s32 s18, $0x2;
	s17 =	sadd.s32 $0x800, s17;
	(pc) =	sbr.rel @p1 .LBB2_3-.Ltmp3, $4  }
0x42: {  	[tilespmem:s17], [sflag:$0x1] =	stream.indirect_vreg.gather [hbm:s5], $0x80, v0, vm0, $0x38;
	[tilespmem:$0x50A0] =	vst v63  }
0x43: {  	s19 =	sadd.s32 s19, s16;
	s20 =	sadd.s32 $0x400, s17  }
0x44: {  	[tilespmem:s20], [sflag:$0x1] =	stream.indirect_vreg.gather [hbm:s5], $0x80, v0, vm1, $0x38;
	[tilespmem:$0x50A0] =	vst v63  }
0x45: {  	s18 =	sadd.s32 $0x40, s18;
	v0 =	vld.msk [tilespmem:s19+$0x0 ss:$0x1], $0xffff  }
0x46: {  	_ =	sdelay $0x3  }
0x47: {  	vm2 =	vgt.s32 v0, $0x0  }
0x48: {  	v0 =	vnsel vm2, $0x0, v0  }
0x49: {  	v0 =	vmin.u32 v0, $0x3B5F  }
0x4a: {  	v0 =	vshll.u32 v0, $0x4;
	_ =	sdelay $0x3  }
0x4b: {  	s16 =	sadd.s32 $0x800, s17  }
0x4c: {  	[tilespmem:s16], [sflag:$0x1] =	stream.indirect_vreg.gather [hbm:s5], $0x80, v0, vm0, $0x38;
	[tilespmem:$0x50A0] =	vst v63  }
0x4d: {  	s16 =	sadd.s32 $0x400, s16  }
0x4e: {  	[tilespmem:s16], [sflag:$0x1] =	stream.indirect_vreg.gather [hbm:s5], $0x80, v0, vm1, $0x38;
	[tilespmem:$0x50A0] =	vst v63  }
0x4f: {  	s13 =	sshll.u32 s13, $0x4;
	_ =	swait.ge [sflag:s6], $0x2800  }
0x50: {  	s13 =	sadd.s32 s13, s9;
	[sflag:s6] =	ssyncset.done $0x0  }
0x51: {  	s17 =	sadd.s32 $0x0, s13;
	s16 =	simm.s32 $0x80;
	[sflag:s6] =	ssyncadd.s32 $0xFFFFD800  }
.LBB2_5:
0x52: {  	[hbm:s17] =	stream.linear.scatter [tilespmem:s14], [sflag:$0x3], $0x400, $0x38;
	[tilespmem:$0x50A0] =	vst v63  }
0x53: {  	s17 =	smov.u32 s16;
	s14 =	smov.u32 s15;
	p1 =	sne.s32 s16, $0x480  }
.Ltmp4:
0x54: {  	s16 =	sadd.s32 $0x80, s16;
	(pc) =	sbr.rel @p1 .LBB2_5-.Ltmp4, $2  }
0x55: {  	_ =	sdelay $0x2  }
0x56: {  	s15 =	sadd.s32 $0x400, s15;
	s17 =	sadd.s32 s17, s13  }
.Ltmp5:
0x57: {  	_ = 	snop;
	(pc) =	sbr.rel .LBB2_6-.Ltmp5, $1  }
0x58: {  	_ =	sdelay $0x3  }
.LBB2_8:
0x59: {  	_ =	sfence.sel $0x180000  }
0x5a: {  	s2 =	simm.s32 $0x2;
	[bflag:$0x0] =	sbarrier.arrive $0xFFFF  }
0x5b: {  	s30 =	simm.s32 $0x3;
	[sflag:s2] =	ssyncpa.u1 $0x1  }
0x5c: {  	s31 =	simm.s32 $0x1;
	[sflag:s30] =	ssyncpa.u1 $0x1  }
0x5d: {  	[sflag:s31] =	ssyncpa.u1 $0x1  }
0x5e: {  	p0 =	sne.s32 s0, $0x0;
	_ =	strace $0x9000004A  }
0x5f: {  	s0 =	sadd.s32 @!p0 $0x100000, s1;
	[bflag:$0x2] =	sbarrier.arrive $0xFFFF  }
0x60: {  	[sflag:s0] =	ssyncadd.tile.s32 @!p0 $0x1;
	_ =	shalt  }
.Lfunc_end2:
_tile_overlayer_lowered:
.L_overlay_start_2:
0x61: {  	(tag) =	ssettag $0x2  }
0x62: {  	s0 =	rddreg [dreg:$0x0];
	s2 =	stileid.u32  }
0x63: {  	s1 =	rddreg [dreg:$0x1];
	p0 =	sne.s32 s2, $0x0  }
0x64: {  	s3 =	rddreg [dreg:$0x2];
	[bflag:$0x3] =	sbarrier.arrive $0xFFFF;
	s2 =	simm.s32 @!p0 $0x1C01  }
0x65: {  	[timem:s3], [sflag:s2] =	dma.local @!p0 [hbm:s0], s1  }
0x66: {  	s0 =	simm.s32 @!p0 $0x1  }
0x67: {  	_ =	swait.ge @!p0 [sflag:s0], s1  }
0x68: {  	s1 =	ssub.s32 @!p0 $0x0, s1;
	[sflag:s0] =	ssyncset.done @!p0 $0x0  }
0x69: {  	[sflag:s0] =	ssyncadd.s32 @!p0 s1  }
0x6a: {  	[bflag:$0x3] =	sbarrier.arrive $0xFFFF  }
0x6b: {  	_ =	shalt  }

</sc_bundles>
